<compile_context>
chip_gen: v7x
topology: tpu7x:2x2x1
jax: 0.10.2.dev20260603
libtpu: 0.0.44.dev20260713+nightly
codegen_flags: <defaults>
</compile_context>

<pallas_src>
import functools
import math

import jax
import jax.numpy as jnp
from jax import lax
from jax.experimental import pallas as pl
from jax.experimental.pallas import tpu as pltpu
from jax.experimental.pallas import tpu_sc as plsc

D_FG = 0.996
D_BG = 0.999

B = 8
N_PIX = 512 * 512
M_BINS = 32768
M_ROWS = M_BINS // 128
D_LO = -10.0
D_HI = 10.0
NW = 32
W_PER_B = NW // B
PER_W = N_PIX // W_PER_B
SLAB_ROWS = 256
CHUNK_ROWS = 64
CHUNK = CHUNK_ROWS * 128
N_CHUNKS = SLAB_ROWS // CHUNK_ROWS
UNROLL = 8

_SCALE = M_BINS / (D_HI - D_LO)
_OFFS = -D_LO * _SCALE


def _tc_prep_kernel(pred_ref, idx_ref):
    x = pred_ref[0]
    d = x[1] - x[0]
    t = d * jnp.float32(_SCALE) + jnp.float32(_OFFS)
    t = jnp.minimum(jnp.maximum(t, jnp.float32(0.0)), jnp.float32(M_BINS - 1))
    t = t.astype(jnp.int32)
    t3 = t.reshape(SLAB_ROWS, 2, 512)
    packed = t3[:, 0, :] | (t3[:, 1, :] << 16)
    for cb in range(W_PER_B):
        idx_ref[cb] = packed[:, cb * 128:(cb + 1) * 128]


@functools.partial(
    pl.kernel,
    mesh=plsc.VectorSubcoreMesh(core_axis_name="c", subcore_axis_name="s"),
    out_type=jax.ShapeDtypeStruct((NW, M_BINS), jnp.float32),
    compiler_params=pltpu.CompilerParams(needs_layout_passes=False),
    scratch_types=[
        pltpu.VMEM((M_BINS,), jnp.float32),
        pltpu.VMEM((CHUNK_ROWS, 128), jnp.int32),
        pltpu.VMEM((CHUNK_ROWS, 128), jnp.int32),
        pltpu.SemaphoreType.DMA,
        pltpu.SemaphoreType.DMA,
    ],
)
def _sc_hist(idx_hbm, out_hbm, hist_v, xa, xb, sa, sb):
    cid = lax.axis_index("c")
    sid = lax.axis_index("s")
    wid = cid * 16 + sid

    bufs = (xa, xb)
    sems = (sa, sb)

    def copy(ci, slot):
        return pltpu.make_async_copy(
            idx_hbm.at[wid, pl.ds(ci * CHUNK_ROWS, CHUNK_ROWS)],
            bufs[slot], sems[slot])

    copy(0, 0).start()
    copy(1, 1).start()

    zeros16 = jnp.zeros((16,), jnp.float32)

    @plsc.parallel_loop(0, M_BINS // 16, unroll=UNROLL)
    def _zero(i):
        hist_v[pl.ds(i * 16, 16)] = zeros16

    ones16 = jnp.ones((16,), jnp.float32)

    for ci in range(N_CHUNKS):
        slot = ci % 2
        copy(ci, slot).wait()
        xv = bufs[slot]

        @plsc.parallel_loop(0, CHUNK // 16, unroll=UNROLL)
        def _scatter(i):
            r = lax.shift_right_logical(i, 3)
            c = lax.shift_left(lax.bitwise_and(i, 7), 4)
            w = xv[r, pl.ds(c, 16)]
            lo = jnp.bitwise_and(w, 0xFFFF)
            hi = lax.shift_right_logical(w, 16)
            plsc.addupdate_scatter(hist_v, [lo], ones16)
            plsc.addupdate_scatter(hist_v, [hi], ones16)

        if ci + 2 < N_CHUNKS:
            copy(ci + 2, slot).start()

    pltpu.sync_copy(hist_v, out_hbm.at[wid])


_LN_FG = math.log(D_FG)
_LN_BG = math.log(D_BG)
_WSUM_FG = 1.0 - D_FG ** N_PIX
_WSUM_BG = 1.0 - D_BG ** N_PIX
_WIDTH = (D_HI - D_LO) / M_BINS


def _tc_reduce_kernel(hist_ref, out_ref):
    x32 = hist_ref[...]
    xs = jnp.sum(x32.reshape(B, W_PER_B, M_ROWS, 128), axis=1)
    flat = xs.reshape(B * M_ROWS, 128)

    r = lax.broadcasted_iota(jnp.int32, (128, 128), 0)
    c = lax.broadcasted_iota(jnp.int32, (128, 128), 1)
    u_suf = (r > c).astype(jnp.float32)
    u_pre = (r < c).astype(jnp.float32)
    s_suf = jnp.dot(flat, u_suf, preferred_element_type=jnp.float32)
    s_pre = jnp.dot(flat, u_pre, preferred_element_type=jnp.float32)

    t = jnp.sum(xs, axis=2)
    ra = lax.broadcasted_iota(jnp.int32, (M_ROWS, M_ROWS), 0)
    ca = lax.broadcasted_iota(jnp.int32, (M_ROWS, M_ROWS), 1)
    m_suf = (ra > ca).astype(jnp.float32)
    m_pre = (ra < ca).astype(jnp.float32)
    t_suf = jnp.dot(t, m_suf, preferred_element_type=jnp.float32)
    t_pre = jnp.dot(t, m_pre, preferred_element_type=jnp.float32)

    rank_fg = s_suf.reshape(B, M_ROWS, 128) + t_suf[:, :, None]
    rank_bg = s_pre.reshape(B, M_ROWS, 128) + t_pre[:, :, None]

    rr = lax.broadcasted_iota(jnp.int32, (M_ROWS, 128), 0)
    cc = lax.broadcasted_iota(jnp.int32, (M_ROWS, 128), 1)
    j_bin = (rr * 128 + cc).astype(jnp.float32)
    d_center = jnp.float32(D_LO) + (j_bin + 0.5) * jnp.float32(_WIDTH)
    v_fg = (1.0 / (1.0 + jnp.exp(-d_center)))[None]
    v_bg = (1.0 / (1.0 + jnp.exp(d_center)))[None]

    c_fg = v_fg * jnp.exp(rank_fg * jnp.float32(_LN_FG)) \
        * (1.0 - jnp.exp(xs * jnp.float32(_LN_FG)))
    c_bg = v_bg * jnp.exp(rank_bg * jnp.float32(_LN_BG)) \
        * (1.0 - jnp.exp(xs * jnp.float32(_LN_BG)))
    g_fg = jnp.sum(c_fg.reshape(B, M_BINS), axis=1, keepdims=True) \
        / jnp.float32(_WSUM_FG)
    g_bg = jnp.sum(c_bg.reshape(B, M_BINS), axis=1, keepdims=True) \
        / jnp.float32(_WSUM_BG)

    val = jnp.log(g_fg) + jnp.log(g_bg)
    out_ref[0, 0] = -jnp.sum(val) / B


def kernel(predicts):
    idx = pl.pallas_call(
        _tc_prep_kernel,
        grid=(B,),
        in_specs=[
            pl.BlockSpec((1, 2, 512, 512), lambda i: (i, 0, 0, 0)),
        ],
        out_specs=pl.BlockSpec((W_PER_B, SLAB_ROWS, 128), lambda i: (i, 0, 0)),
        out_shape=jax.ShapeDtypeStruct((NW, SLAB_ROWS, 128), jnp.int32),
    )(predicts)
    hist = _sc_hist(idx)
    hist3 = hist.reshape(NW, M_ROWS, 128)
    out = pl.pallas_call(
        _tc_reduce_kernel,
        out_specs=pl.BlockSpec(memory_space=pltpu.SMEM),
        out_shape=jax.ShapeDtypeStruct((1, 1), jnp.float32),
    )(hist3)
    return out[0, 0]

# --- scband reference (transcript-rebuilt; emitter-appended) ---
"""Pipeline reference for scband-expand-loss-10625749090672 (READ-ONLY COPY).

The authoritative reference and input builder live on the scoring server;
editing this copy changes nothing except your own understanding.
"""

import jax, jax.numpy as jnp
import numpy as np

D_FG = 0.996
D_BG = 0.999

def setup_inputs(seed: int = 0) -> dict:
    key = jax.random.key(seed)
    predicts = jax.random.normal(key, (8, 2, 512, 512), dtype=jnp.float32)
    return {"predicts": predicts}

def reference(predicts):
    seg_preds = jax.nn.softmax(predicts, axis=1)
    B = seg_preds.shape[0]
    fg = seg_preds[:, 1, :, :].reshape(B, -1)
    bg = seg_preds[:, 0, :, :].reshape(B, -1)
    n = fg.shape[1]
    # descending sort
    fg_sorted = -jnp.sort(-fg, axis=1)
    bg_sorted = -jnp.sort(-bg, axis=1)
    idx = jnp.arange(n, dtype=jnp.float32)
    fg_weights = jnp.power(jnp.float32(D_FG), idx)
    bg_weights = jnp.power(jnp.float32(D_BG), idx)
    weighted_fg = fg_sorted * fg_weights
    weighted_bg = bg_sorted * bg_weights
    g_fg = (1.0 / jnp.sum(fg_weights)) * jnp.sum(weighted_fg, axis=1)
    g_bg = (1.0 / jnp.sum(bg_weights)) * jnp.sum(weighted_bg, axis=1)
    loss_fg = -jnp.mean(jnp.log(g_fg))
    loss_bg = -jnp.mean(jnp.log(g_bg))
    return loss_fg + loss_bg

if __name__ == "__main__":
    import jax
    _d = setup_inputs()
    print(jax.jit(kernel)(*tuple(_d.values())))

</pallas_src>

<mosaic_0001>
#map = affine_map<(d0, d1) -> (0, 0, 0)>
#map1 = affine_map<(d0, d1) -> (0, 0)>
module attributes {stable_mosaic.version = 14 : i64} {
  func.func @_sc_hist(%arg0: i32, %arg1: i32, %arg2: memref<32x256x128xi32, #tpu.memory_space<hbm>>, %arg3: memref<32x32768xf32, #tpu.memory_space<hbm>>, %arg4: memref<32768xf32, #tpu.memory_space<vmem>>, %arg5: memref<64x128xi32, #tpu.memory_space<vmem>>, %arg6: memref<64x128xi32, #tpu.memory_space<vmem>>, %arg7: memref<!tpu.dma_semaphore, #tpu.memory_space<semaphore_mem>>, %arg8: memref<!tpu.dma_semaphore, #tpu.memory_space<semaphore_mem>>) attributes {dimension_semantics = [#tpu.dimension_semantics<core_parallel>, #tpu.dimension_semantics<subcore_parallel>], iteration_bounds = array<i64: 2, 16>, scalar_prefetch = 0 : i64, scratch_operands = 5 : i64, tpu.core_type = #tpu.core_type<sc_vector_subcore>, window_params = [{transform_indices = #map}, {transform_indices = #map1}]} {
    %mul3A = arith.constant 16 : i32
    %mul3A_0 = arith.muli %arg0, %mul3A : i32
    %add3A = arith.addi %mul3A_0, %arg1 : i32
    %dma_start3A = arith.constant 0 : i32
    %dma_start3A_1 = arith.constant 0 : i32
    %dma_start3A_2 = tpu.memref_slice %arg2[%add3A, %dma_start3A, %dma_start3A_1] : memref<32x256x128xi32, #tpu.memory_space<hbm>> -> memref<1x64x128xi32, #tpu.memory_space<hbm>>
    %dma_start3A_3 = tpu.memref_squeeze %dma_start3A_2 : memref<1x64x128xi32, #tpu.memory_space<hbm>> -> memref<64x128xi32, #tpu.memory_space<hbm>>
    %dma_start3A_4 = arith.constant 0 : i32
    %dma_start3A_5 = arith.constant 0 : i32
    %dma_start3A_6 = tpu.memref_slice %arg2[%add3A, %dma_start3A_4, %dma_start3A_5] : memref<32x256x128xi32, #tpu.memory_space<hbm>> -> memref<1x64x128xi32, #tpu.memory_space<hbm>>
    %dma_start3A_7 = tpu.memref_squeeze %dma_start3A_6 : memref<1x64x128xi32, #tpu.memory_space<hbm>> -> memref<64x128xi32, #tpu.memory_space<hbm>>
    tpu.enqueue_dma source(%dma_start3A_7 : memref<64x128xi32, #tpu.memory_space<hbm>>) target(%arg5 : memref<64x128xi32, #tpu.memory_space<vmem>>) target_semaphore(%arg7 : memref<!tpu.dma_semaphore, #tpu.memory_space<semaphore_mem>>)
    %dma_start3A_8 = arith.constant 64 : i32
    %dma_start3A_9 = arith.constant 0 : i32
    %dma_start3A_10 = tpu.memref_slice %arg2[%add3A, %dma_start3A_8, %dma_start3A_9] : memref<32x256x128xi32, #tpu.memory_space<hbm>> -> memref<1x64x128xi32, #tpu.memory_space<hbm>>
    %dma_start3A_11 = tpu.memref_squeeze %dma_start3A_10 : memref<1x64x128xi32, #tpu.memory_space<hbm>> -> memref<64x128xi32, #tpu.memory_space<hbm>>
    %dma_start3A_12 = arith.constant 64 : i32
    %dma_start3A_13 = arith.constant 0 : i32
    %dma_start3A_14 = tpu.memref_slice %arg2[%add3A, %dma_start3A_12, %dma_start3A_13] : memref<32x256x128xi32, #tpu.memory_space<hbm>> -> memref<1x64x128xi32, #tpu.memory_space<hbm>>
    %dma_start3A_15 = tpu.memref_squeeze %dma_start3A_14 : memref<1x64x128xi32, #tpu.memory_space<hbm>> -> memref<64x128xi32, #tpu.memory_space<hbm>>
    tpu.enqueue_dma source(%dma_start3A_15 : memref<64x128xi32, #tpu.memory_space<hbm>>) target(%arg6 : memref<64x128xi32, #tpu.memory_space<vmem>>) target_semaphore(%arg8 : memref<!tpu.dma_semaphore, #tpu.memory_space<semaphore_mem>>)
    %broadcast_in_dim3A = arith.constant 0.000000e+00 : f32
    %broadcast_in_dim3A_16 = vector.broadcast %broadcast_in_dim3A : f32 to vector<16xf32>
    %parallel_loop3A = arith.constant 0 : i32
    %parallel_loop3A_17 = arith.constant 2048 : i32
    %parallel_loop3A_18 = arith.constant 1 : i32
    scf.for %parallel_loop3A_80 = %parallel_loop3A to %parallel_loop3A_17 step %parallel_loop3A_18  : i32 {
      %parallel_loop3A_81 = arith.constant 16 : i32
      %parallel_loop3A_82 = arith.muli %parallel_loop3A_80, %parallel_loop3A_81 : i32
      %parallel_loop3A_83 = arith.index_cast %parallel_loop3A_82 : i32 to index
      %parallel_loop3A_84 = tpu.vector_load %arg4[%parallel_loop3A_83] {strides = array<i32>} : memref<32768xf32, #tpu.memory_space<vmem>>, vector<16xf32>,
      tpu.vector_store %arg4[%parallel_loop3A_83], %broadcast_in_dim3A_16 {strides = array<i32>} : memref<32768xf32, #tpu.memory_space<vmem>>, vector<16xf32>,
    } {sc.loop_unroll_factor = 8 : i64, sc.parallel_access}
    %broadcast_in_dim3A_19 = arith.constant 1.000000e+00 : f32
    %broadcast_in_dim3A_20 = vector.broadcast %broadcast_in_dim3A_19 : f32 to vector<16xf32>
    %dma_wait3A = arith.constant 0 : i32
    %dma_wait3A_21 = arith.constant 0 : i32
    %dma_wait3A_22 = tpu.memref_slice %arg2[%add3A, %dma_wait3A, %dma_wait3A_21] : memref<32x256x128xi32, #tpu.memory_space<hbm>> -> memref<1x64x128xi32, #tpu.memory_space<hbm>>
    %dma_wait3A_23 = tpu.memref_squeeze %dma_wait3A_22 : memref<1x64x128xi32, #tpu.memory_space<hbm>> -> memref<64x128xi32, #tpu.memory_space<hbm>>
    %dma_wait3A_24 = arith.constant 0 : i32
    %dma_wait3A_25 = arith.constant 0 : i32
    %dma_wait3A_26 = tpu.memref_slice %arg2[%add3A, %dma_wait3A_24, %dma_wait3A_25] : memref<32x256x128xi32, #tpu.memory_space<hbm>> -> memref<1x64x128xi32, #tpu.memory_space<hbm>>
    %dma_wait3A_27 = tpu.memref_squeeze %dma_wait3A_26 : memref<1x64x128xi32, #tpu.memory_space<hbm>> -> memref<64x128xi32, #tpu.memory_space<hbm>>
    tpu.wait_dma2 semaphore(%arg7 : memref<!tpu.dma_semaphore, #tpu.memory_space<semaphore_mem>>) src(%dma_wait3A_27 : memref<64x128xi32, #tpu.memory_space<hbm>>) dst(%arg5 : memref<64x128xi32, #tpu.memory_space<vmem>>)
    %parallel_loop3A_28 = arith.constant 0 : i32
    %parallel_loop3A_29 = arith.constant 512 : i32
    %parallel_loop3A_30 = arith.constant 1 : i32
    scf.for %parallel_loop3A_80 = %parallel_loop3A_28 to %parallel_loop3A_29 step %parallel_loop3A_30  : i32 {
      %parallel_loop3A_81 = arith.constant 3 : i32
      %parallel_loop3A_82 = arith.shrui %parallel_loop3A_80, %parallel_loop3A_81 : i32
      %parallel_loop3A_83 = arith.constant 7 : i32
      %parallel_loop3A_84 = arith.andi %parallel_loop3A_80, %parallel_loop3A_83 : i32
      %parallel_loop3A_85 = arith.constant 4 : i32
      %parallel_loop3A_86 = arith.shli %parallel_loop3A_84, %parallel_loop3A_85 : i32
      %parallel_loop3A_87 = arith.index_cast %parallel_loop3A_82 : i32 to index
      %parallel_loop3A_88 = arith.index_cast %parallel_loop3A_86 : i32 to index
      %parallel_loop3A_89 = tpu.vector_load %arg5[%parallel_loop3A_87, %parallel_loop3A_88] {strides = array<i32>} : memref<64x128xi32, #tpu.memory_space<vmem>>, vector<16xi32>,
      %parallel_loop3A_90 = arith.constant 65535 : i32
      %parallel_loop3A_91 = vector.broadcast %parallel_loop3A_90 : i32 to vector<16xi32>
      %parallel_loop3A_92 = arith.andi %parallel_loop3A_89, %parallel_loop3A_91 : vector<16xi32>
      %parallel_loop3A_93 = arith.constant 16 : i32
      %parallel_loop3A_94 = vector.broadcast %parallel_loop3A_93 : i32 to vector<16xi32>
      %parallel_loop3A_95 = arith.shrui %parallel_loop3A_89, %parallel_loop3A_94 : vector<16xi32>
      tpu.vector_store_idx %arg4[%parallel_loop3A_92], %broadcast_in_dim3A_20 {add = true} : memref<32768xf32, #tpu.memory_space<vmem>>[vector<16xi32>], vector<16xf32>,
      tpu.vector_store_idx %arg4[%parallel_loop3A_95], %broadcast_in_dim3A_20 {add = true} : memref<32768xf32, #tpu.memory_space<vmem>>[vector<16xi32>], vector<16xf32>,
    } {sc.loop_unroll_factor = 8 : i64, sc.parallel_access}
    %dma_start3A_31 = arith.constant 128 : i32
    %dma_start3A_32 = arith.constant 0 : i32
    %dma_start3A_33 = tpu.memref_slice %arg2[%add3A, %dma_start3A_31, %dma_start3A_32] : memref<32x256x128xi32, #tpu.memory_space<hbm>> -> memref<1x64x128xi32, #tpu.memory_space<hbm>>
    %dma_start3A_34 = tpu.memref_squeeze %dma_start3A_33 : memref<1x64x128xi32, #tpu.memory_space<hbm>> -> memref<64x128xi32, #tpu.memory_space<hbm>>
    %dma_start3A_35 = arith.constant 128 : i32
    %dma_start3A_36 = arith.constant 0 : i32
    %dma_start3A_37 = tpu.memref_slice %arg2[%add3A, %dma_start3A_35, %dma_start3A_36] : memref<32x256x128xi32, #tpu.memory_space<hbm>> -> memref<1x64x128xi32, #tpu.memory_space<hbm>>
    %dma_start3A_38 = tpu.memref_squeeze %dma_start3A_37 : memref<1x64x128xi32, #tpu.memory_space<hbm>> -> memref<64x128xi32, #tpu.memory_space<hbm>>
    tpu.enqueue_dma source(%dma_start3A_38 : memref<64x128xi32, #tpu.memory_space<hbm>>) target(%arg5 : memref<64x128xi32, #tpu.memory_space<vmem>>) target_semaphore(%arg7 : memref<!tpu.dma_semaphore, #tpu.memory_space<semaphore_mem>>)
    %dma_wait3A_39 = arith.constant 64 : i32
    %dma_wait3A_40 = arith.constant 0 : i32
    %dma_wait3A_41 = tpu.memref_slice %arg2[%add3A, %dma_wait3A_39, %dma_wait3A_40] : memref<32x256x128xi32, #tpu.memory_space<hbm>> -> memref<1x64x128xi32, #tpu.memory_space<hbm>>
    %dma_wait3A_42 = tpu.memref_squeeze %dma_wait3A_41 : memref<1x64x128xi32, #tpu.memory_space<hbm>> -> memref<64x128xi32, #tpu.memory_space<hbm>>
    %dma_wait3A_43 = arith.constant 64 : i32
    %dma_wait3A_44 = arith.constant 0 : i32
    %dma_wait3A_45 = tpu.memref_slice %arg2[%add3A, %dma_wait3A_43, %dma_wait3A_44] : memref<32x256x128xi32, #tpu.memory_space<hbm>> -> memref<1x64x128xi32, #tpu.memory_space<hbm>>
    %dma_wait3A_46 = tpu.memref_squeeze %dma_wait3A_45 : memref<1x64x128xi32, #tpu.memory_space<hbm>> -> memref<64x128xi32, #tpu.memory_space<hbm>>
    tpu.wait_dma2 semaphore(%arg8 : memref<!tpu.dma_semaphore, #tpu.memory_space<semaphore_mem>>) src(%dma_wait3A_46 : memref<64x128xi32, #tpu.memory_space<hbm>>) dst(%arg6 : memref<64x128xi32, #tpu.memory_space<vmem>>)
    %parallel_loop3A_47 = arith.constant 0 : i32
    %parallel_loop3A_48 = arith.constant 512 : i32
    %parallel_loop3A_49 = arith.constant 1 : i32
    scf.for %parallel_loop3A_80 = %parallel_loop3A_47 to %parallel_loop3A_48 step %parallel_loop3A_49  : i32 {
      %parallel_loop3A_81 = arith.constant 3 : i32
      %parallel_loop3A_82 = arith.shrui %parallel_loop3A_80, %parallel_loop3A_81 : i32
      %parallel_loop3A_83 = arith.constant 7 : i32
      %parallel_loop3A_84 = arith.andi %parallel_loop3A_80, %parallel_loop3A_83 : i32
      %parallel_loop3A_85 = arith.constant 4 : i32
      %parallel_loop3A_86 = arith.shli %parallel_loop3A_84, %parallel_loop3A_85 : i32
      %parallel_loop3A_87 = arith.index_cast %parallel_loop3A_82 : i32 to index
      %parallel_loop3A_88 = arith.index_cast %parallel_loop3A_86 : i32 to index
      %parallel_loop3A_89 = tpu.vector_load %arg6[%parallel_loop3A_87, %parallel_loop3A_88] {strides = array<i32>} : memref<64x128xi32, #tpu.memory_space<vmem>>, vector<16xi32>,
      %parallel_loop3A_90 = arith.constant 65535 : i32
      %parallel_loop3A_91 = vector.broadcast %parallel_loop3A_90 : i32 to vector<16xi32>
      %parallel_loop3A_92 = arith.andi %parallel_loop3A_89, %parallel_loop3A_91 : vector<16xi32>
      %parallel_loop3A_93 = arith.constant 16 : i32
      %parallel_loop3A_94 = vector.broadcast %parallel_loop3A_93 : i32 to vector<16xi32>
      %parallel_loop3A_95 = arith.shrui %parallel_loop3A_89, %parallel_loop3A_94 : vector<16xi32>
      tpu.vector_store_idx %arg4[%parallel_loop3A_92], %broadcast_in_dim3A_20 {add = true} : memref<32768xf32, #tpu.memory_space<vmem>>[vector<16xi32>], vector<16xf32>,
      tpu.vector_store_idx %arg4[%parallel_loop3A_95], %broadcast_in_dim3A_20 {add = true} : memref<32768xf32, #tpu.memory_space<vmem>>[vector<16xi32>], vector<16xf32>,
    } {sc.loop_unroll_factor = 8 : i64, sc.parallel_access}
    %dma_start3A_50 = arith.constant 192 : i32
    %dma_start3A_51 = arith.constant 0 : i32
    %dma_start3A_52 = tpu.memref_slice %arg2[%add3A, %dma_start3A_50, %dma_start3A_51] : memref<32x256x128xi32, #tpu.memory_space<hbm>> -> memref<1x64x128xi32, #tpu.memory_space<hbm>>
    %dma_start3A_53 = tpu.memref_squeeze %dma_start3A_52 : memref<1x64x128xi32, #tpu.memory_space<hbm>> -> memref<64x128xi32, #tpu.memory_space<hbm>>
    %dma_start3A_54 = arith.constant 192 : i32
    %dma_start3A_55 = arith.constant 0 : i32
    %dma_start3A_56 = tpu.memref_slice %arg2[%add3A, %dma_start3A_54, %dma_start3A_55] : memref<32x256x128xi32, #tpu.memory_space<hbm>> -> memref<1x64x128xi32, #tpu.memory_space<hbm>>
    %dma_start3A_57 = tpu.memref_squeeze %dma_start3A_56 : memref<1x64x128xi32, #tpu.memory_space<hbm>> -> memref<64x128xi32, #tpu.memory_space<hbm>>
    tpu.enqueue_dma source(%dma_start3A_57 : memref<64x128xi32, #tpu.memory_space<hbm>>) target(%arg6 : memref<64x128xi32, #tpu.memory_space<vmem>>) target_semaphore(%arg8 : memref<!tpu.dma_semaphore, #tpu.memory_space<semaphore_mem>>)
    %dma_wait3A_58 = arith.constant 128 : i32
    %dma_wait3A_59 = arith.constant 0 : i32
    %dma_wait3A_60 = tpu.memref_slice %arg2[%add3A, %dma_wait3A_58, %dma_wait3A_59] : memref<32x256x128xi32, #tpu.memory_space<hbm>> -> memref<1x64x128xi32, #tpu.memory_space<hbm>>
    %dma_wait3A_61 = tpu.memref_squeeze %dma_wait3A_60 : memref<1x64x128xi32, #tpu.memory_space<hbm>> -> memref<64x128xi32, #tpu.memory_space<hbm>>
    %dma_wait3A_62 = arith.constant 128 : i32
    %dma_wait3A_63 = arith.constant 0 : i32
    %dma_wait3A_64 = tpu.memref_slice %arg2[%add3A, %dma_wait3A_62, %dma_wait3A_63] : memref<32x256x128xi32, #tpu.memory_space<hbm>> -> memref<1x64x128xi32, #tpu.memory_space<hbm>>
    %dma_wait3A_65 = tpu.memref_squeeze %dma_wait3A_64 : memref<1x64x128xi32, #tpu.memory_space<hbm>> -> memref<64x128xi32, #tpu.memory_space<hbm>>
    tpu.wait_dma2 semaphore(%arg7 : memref<!tpu.dma_semaphore, #tpu.memory_space<semaphore_mem>>) src(%dma_wait3A_65 : memref<64x128xi32, #tpu.memory_space<hbm>>) dst(%arg5 : memref<64x128xi32, #tpu.memory_space<vmem>>)
    %parallel_loop3A_66 = arith.constant 0 : i32
    %parallel_loop3A_67 = arith.constant 512 : i32
    %parallel_loop3A_68 = arith.constant 1 : i32
    scf.for %parallel_loop3A_80 = %parallel_loop3A_66 to %parallel_loop3A_67 step %parallel_loop3A_68  : i32 {
      %parallel_loop3A_81 = arith.constant 3 : i32
      %parallel_loop3A_82 = arith.shrui %parallel_loop3A_80, %parallel_loop3A_81 : i32
      %parallel_loop3A_83 = arith.constant 7 : i32
      %parallel_loop3A_84 = arith.andi %parallel_loop3A_80, %parallel_loop3A_83 : i32
      %parallel_loop3A_85 = arith.constant 4 : i32
      %parallel_loop3A_86 = arith.shli %parallel_loop3A_84, %parallel_loop3A_85 : i32
      %parallel_loop3A_87 = arith.index_cast %parallel_loop3A_82 : i32 to index
      %parallel_loop3A_88 = arith.index_cast %parallel_loop3A_86 : i32 to index
      %parallel_loop3A_89 = tpu.vector_load %arg5[%parallel_loop3A_87, %parallel_loop3A_88] {strides = array<i32>} : memref<64x128xi32, #tpu.memory_space<vmem>>, vector<16xi32>,
      %parallel_loop3A_90 = arith.constant 65535 : i32
      %parallel_loop3A_91 = vector.broadcast %parallel_loop3A_90 : i32 to vector<16xi32>
      %parallel_loop3A_92 = arith.andi %parallel_loop3A_89, %parallel_loop3A_91 : vector<16xi32>
      %parallel_loop3A_93 = arith.constant 16 : i32
      %parallel_loop3A_94 = vector.broadcast %parallel_loop3A_93 : i32 to vector<16xi32>
      %parallel_loop3A_95 = arith.shrui %parallel_loop3A_89, %parallel_loop3A_94 : vector<16xi32>
      tpu.vector_store_idx %arg4[%parallel_loop3A_92], %broadcast_in_dim3A_20 {add = true} : memref<32768xf32, #tpu.memory_space<vmem>>[vector<16xi32>], vector<16xf32>,
      tpu.vector_store_idx %arg4[%parallel_loop3A_95], %broadcast_in_dim3A_20 {add = true} : memref<32768xf32, #tpu.memory_space<vmem>>[vector<16xi32>], vector<16xf32>,
    } {sc.loop_unroll_factor = 8 : i64, sc.parallel_access}
    %dma_wait3A_69 = arith.constant 192 : i32
    %dma_wait3A_70 = arith.constant 0 : i32
    %dma_wait3A_71 = tpu.memref_slice %arg2[%add3A, %dma_wait3A_69, %dma_wait3A_70] : memref<32x256x128xi32, #tpu.memory_space<hbm>> -> memref<1x64x128xi32, #tpu.memory_space<hbm>>
    %dma_wait3A_72 = tpu.memref_squeeze %dma_wait3A_71 : memref<1x64x128xi32, #tpu.memory_space<hbm>> -> memref<64x128xi32, #tpu.memory_space<hbm>>
    %dma_wait3A_73 = arith.constant 192 : i32
    %dma_wait3A_74 = arith.constant 0 : i32
    %dma_wait3A_75 = tpu.memref_slice %arg2[%add3A, %dma_wait3A_73, %dma_wait3A_74] : memref<32x256x128xi32, #tpu.memory_space<hbm>> -> memref<1x64x128xi32, #tpu.memory_space<hbm>>
    %dma_wait3A_76 = tpu.memref_squeeze %dma_wait3A_75 : memref<1x64x128xi32, #tpu.memory_space<hbm>> -> memref<64x128xi32, #tpu.memory_space<hbm>>
    tpu.wait_dma2 semaphore(%arg8 : memref<!tpu.dma_semaphore, #tpu.memory_space<semaphore_mem>>) src(%dma_wait3A_76 : memref<64x128xi32, #tpu.memory_space<hbm>>) dst(%arg6 : memref<64x128xi32, #tpu.memory_space<vmem>>)
    %parallel_loop3A_77 = arith.constant 0 : i32
    %parallel_loop3A_78 = arith.constant 512 : i32
    %parallel_loop3A_79 = arith.constant 1 : i32
    scf.for %parallel_loop3A_80 = %parallel_loop3A_77 to %parallel_loop3A_78 step %parallel_loop3A_79  : i32 {
      %parallel_loop3A_81 = arith.constant 3 : i32
      %parallel_loop3A_82 = arith.shrui %parallel_loop3A_80, %parallel_loop3A_81 : i32
      %parallel_loop3A_83 = arith.constant 7 : i32
      %parallel_loop3A_84 = arith.andi %parallel_loop3A_80, %parallel_loop3A_83 : i32
      %parallel_loop3A_85 = arith.constant 4 : i32
      %parallel_loop3A_86 = arith.shli %parallel_loop3A_84, %parallel_loop3A_85 : i32
      %parallel_loop3A_87 = arith.index_cast %parallel_loop3A_82 : i32 to index
      %parallel_loop3A_88 = arith.index_cast %parallel_loop3A_86 : i32 to index
      %parallel_loop3A_89 = tpu.vector_load %arg6[%parallel_loop3A_87, %parallel_loop3A_88] {strides = array<i32>} : memref<64x128xi32, #tpu.memory_space<vmem>>, vector<16xi32>,
      %parallel_loop3A_90 = arith.constant 65535 : i32
      %parallel_loop3A_91 = vector.broadcast %parallel_loop3A_90 : i32 to vector<16xi32>
      %parallel_loop3A_92 = arith.andi %parallel_loop3A_89, %parallel_loop3A_91 : vector<16xi32>
      %parallel_loop3A_93 = arith.constant 16 : i32
      %parallel_loop3A_94 = vector.broadcast %parallel_loop3A_93 : i32 to vector<16xi32>
      %parallel_loop3A_95 = arith.shrui %parallel_loop3A_89, %parallel_loop3A_94 : vector<16xi32>
      tpu.vector_store_idx %arg4[%parallel_loop3A_92], %broadcast_in_dim3A_20 {add = true} : memref<32768xf32, #tpu.memory_space<vmem>>[vector<16xi32>], vector<16xf32>,
      tpu.vector_store_idx %arg4[%parallel_loop3A_95], %broadcast_in_dim3A_20 {add = true} : memref<32768xf32, #tpu.memory_space<vmem>>[vector<16xi32>], vector<16xf32>,
    } {sc.loop_unroll_factor = 8 : i64, sc.parallel_access}
    "tpu.region"() ({
      %run_scoped3A = tpu.sem_alloc : memref<!tpu.dma_semaphore, #tpu.memory_space<semaphore_mem>>
      %dma_start3A_80 = arith.constant 0 : i32
      %dma_start3A_81 = tpu.memref_slice %arg3[%add3A, %dma_start3A_80] : memref<32x32768xf32, #tpu.memory_space<hbm>> -> memref<1x32768xf32, #tpu.memory_space<hbm>>
      %dma_start3A_82 = tpu.memref_squeeze %dma_start3A_81 : memref<1x32768xf32, #tpu.memory_space<hbm>> -> memref<32768xf32, #tpu.memory_space<hbm>>
      %dma_start3A_83 = arith.constant 0 : i32
      %dma_start3A_84 = tpu.memref_slice %arg3[%add3A, %dma_start3A_83] : memref<32x32768xf32, #tpu.memory_space<hbm>> -> memref<1x32768xf32, #tpu.memory_space<hbm>>
      %dma_start3A_85 = tpu.memref_squeeze %dma_start3A_84 : memref<1x32768xf32, #tpu.memory_space<hbm>> -> memref<32768xf32, #tpu.memory_space<hbm>>
      tpu.enqueue_dma source(%arg4 : memref<32768xf32, #tpu.memory_space<vmem>>) target(%dma_start3A_85 : memref<32768xf32, #tpu.memory_space<hbm>>) target_semaphore(%run_scoped3A : memref<!tpu.dma_semaphore, #tpu.memory_space<semaphore_mem>>)
      %dma_wait3A_86 = arith.constant 0 : i32
      %dma_wait3A_87 = tpu.memref_slice %arg3[%add3A, %dma_wait3A_86] : memref<32x32768xf32, #tpu.memory_space<hbm>> -> memref<1x32768xf32, #tpu.memory_space<hbm>>
      %dma_wait3A_88 = tpu.memref_squeeze %dma_wait3A_87 : memref<1x32768xf32, #tpu.memory_space<hbm>> -> memref<32768xf32, #tpu.memory_space<hbm>>
      %dma_wait3A_89 = arith.constant 0 : i32
      %dma_wait3A_90 = tpu.memref_slice %arg3[%add3A, %dma_wait3A_89] : memref<32x32768xf32, #tpu.memory_space<hbm>> -> memref<1x32768xf32, #tpu.memory_space<hbm>>
      %dma_wait3A_91 = tpu.memref_squeeze %dma_wait3A_90 : memref<1x32768xf32, #tpu.memory_space<hbm>> -> memref<32768xf32, #tpu.memory_space<hbm>>
      tpu.wait_dma2 semaphore(%run_scoped3A : memref<!tpu.dma_semaphore, #tpu.memory_space<semaphore_mem>>) src(%arg4 : memref<32768xf32, #tpu.memory_space<vmem>>) dst(%dma_wait3A_91 : memref<32768xf32, #tpu.memory_space<hbm>>)
      tpu.yield
    }) : () -> ()
    return
  }
}

module attributes {stable_mosaic.version = 14 : i64} {
  func.func @_tc_prep_kernel(%arg0: i32, %arg1: memref<1x2x512x512xf32, #tpu.memory_space<vmem>>, %arg2: memref<4x256x128xi32, #tpu.memory_space<vmem>>) attributes {dimension_semantics = [#tpu.dimension_semantics<arbitrary>], iteration_bounds = array<i64: 8>, scalar_prefetch = 0 : i64, scratch_operands = 0 : i64, tpu.core_type = #tpu.core_type<tc>, window_params = [{transform_indices = @transform_0, window_bounds = array<i64: 1, 2, 512, 512>}, {transform_indices = @transform_1, window_bounds = array<i64: 4, 256, 128>}]} {
    %get3A = arith.constant 0 : index
    %get3A_0 = arith.constant 0 : index
    %get3A_1 = arith.constant 0 : index
    %get3A_2 = arith.constant 0 : index
    %get3A_3 = vector.load %arg1[%get3A, %get3A_0, %get3A_1, %get3A_2] : memref<1x2x512x512xf32, #tpu.memory_space<vmem>>, vector<1x2x512x512xf32>
    %get3A_4 = vector.shape_cast %get3A_3 : vector<1x2x512x512xf32> to vector<2x512x512xf32>
    %slice3A = vector.extract_strided_slice %get3A_4 {offsets = [1, 0, 0], sizes = [1, 512, 512], strides = [1, 1, 1]} : vector<2x512x512xf32> to vector<1x512x512xf32>
    %squeeze3A = vector.shape_cast %slice3A : vector<1x512x512xf32> to vector<512x512xf32>
    %slice3A_5 = vector.extract_strided_slice %get3A_4 {offsets = [0, 0, 0], sizes = [1, 512, 512], strides = [1, 1, 1]} : vector<2x512x512xf32> to vector<1x512x512xf32>
    %squeeze3A_6 = vector.shape_cast %slice3A_5 : vector<1x512x512xf32> to vector<512x512xf32>
    %sub3A = arith.subf %squeeze3A, %squeeze3A_6 : vector<512x512xf32>
    %mul3A = arith.constant 1.638400e+03 : f32
    %mul3A_7 = vector.broadcast %mul3A : f32 to vector<512x512xf32>
    %mul3A_8 = arith.mulf %sub3A, %mul3A_7 : vector<512x512xf32>
    %add3A = arith.constant 1.638400e+04 : f32
    %add3A_9 = vector.broadcast %add3A : f32 to vector<512x512xf32>
    %add3A_10 = arith.addf %mul3A_8, %add3A_9 : vector<512x512xf32>
    %max3A = arith.constant 0.000000e+00 : f32
    %max3A_11 = vector.broadcast %max3A : f32 to vector<512x512xf32>
    %max3A_12 = arith.maximumf %add3A_10, %max3A_11 : vector<512x512xf32>
    %min3A = arith.constant 3.276700e+04 : f32
    %min3A_13 = vector.broadcast %min3A : f32 to vector<512x512xf32>
    %min3A_14 = arith.minimumf %max3A_12, %min3A_13 : vector<512x512xf32>
    %convert_element_type3A = arith.fptosi %min3A_14 : vector<512x512xf32> to vector<512x512xi32>
    %reshape3A = vector.shape_cast %convert_element_type3A : vector<512x512xi32> to vector<256x2x512xi32>
    %slice3A_15 = vector.extract_strided_slice %reshape3A {offsets = [0, 0, 0], sizes = [256, 1, 512], strides = [1, 1, 1]} : vector<256x2x512xi32> to vector<256x1x512xi32>
    %squeeze3A_16 = vector.shape_cast %slice3A_15 : vector<256x1x512xi32> to vector<256x512xi32>
    %slice3A_17 = vector.extract_strided_slice %reshape3A {offsets = [0, 1, 0], sizes = [256, 1, 512], strides = [1, 1, 1]} : vector<256x2x512xi32> to vector<256x1x512xi32>
    %squeeze3A_18 = vector.shape_cast %slice3A_17 : vector<256x1x512xi32> to vector<256x512xi32>
    %shift_left3A = arith.constant 16 : i32
    %shift_left3A_19 = vector.broadcast %shift_left3A : i32 to vector<256x512xi32>
    %shift_left3A_20 = arith.shli %squeeze3A_18, %shift_left3A_19 : vector<256x512xi32>
    %or3A = arith.ori %squeeze3A_16, %shift_left3A_20 : vector<256x512xi32>
    %slice3A_21 = vector.extract_strided_slice %or3A {offsets = [0, 0], sizes = [256, 128], strides = [1, 1]} : vector<256x512xi32> to vector<256x128xi32>
    %swap3A = arith.constant 0 : index
    %swap3A_22 = arith.constant 0 : index
    %swap3A_23 = arith.constant 0 : index
    %swap3A_24 = vector.load %arg2[%swap3A, %swap3A_22, %swap3A_23] : memref<4x256x128xi32, #tpu.memory_space<vmem>>, vector<1x256x128xi32>
    %swap3A_25 = vector.shape_cast %swap3A_24 : vector<1x256x128xi32> to vector<256x128xi32>
    %swap3A_26 = vector.shape_cast %slice3A_21 : vector<256x128xi32> to vector<1x256x128xi32>
    tpu.vector_store %arg2[%swap3A, %swap3A_22, %swap3A_23], %swap3A_26 {strides = array<i32>} : memref<4x256x128xi32, #tpu.memory_space<vmem>>, vector<1x256x128xi32>,
    %slice3A_27 = vector.extract_strided_slice %or3A {offsets = [0, 128], sizes = [256, 128], strides = [1, 1]} : vector<256x512xi32> to vector<256x128xi32>
    %swap3A_28 = arith.constant 1 : index
    %swap3A_29 = arith.constant 0 : index
    %swap3A_30 = arith.constant 0 : index
    %swap3A_31 = vector.load %arg2[%swap3A_28, %swap3A_29, %swap3A_30] : memref<4x256x128xi32, #tpu.memory_space<vmem>>, vector<1x256x128xi32>
    %swap3A_32 = vector.shape_cast %swap3A_31 : vector<1x256x128xi32> to vector<256x128xi32>
    %swap3A_33 = vector.shape_cast %slice3A_27 : vector<256x128xi32> to vector<1x256x128xi32>
    tpu.vector_store %arg2[%swap3A_28, %swap3A_29, %swap3A_30], %swap3A_33 {strides = array<i32>} : memref<4x256x128xi32, #tpu.memory_space<vmem>>, vector<1x256x128xi32>,
    %slice3A_34 = vector.extract_strided_slice %or3A {offsets = [0, 256], sizes = [256, 128], strides = [1, 1]} : vector<256x512xi32> to vector<256x128xi32>
    %swap3A_35 = arith.constant 2 : index
    %swap3A_36 = arith.constant 0 : index
    %swap3A_37 = arith.constant 0 : index
    %swap3A_38 = vector.load %arg2[%swap3A_35, %swap3A_36, %swap3A_37] : memref<4x256x128xi32, #tpu.memory_space<vmem>>, vector<1x256x128xi32>
    %swap3A_39 = vector.shape_cast %swap3A_38 : vector<1x256x128xi32> to vector<256x128xi32>
    %swap3A_40 = vector.shape_cast %slice3A_34 : vector<256x128xi32> to vector<1x256x128xi32>
    tpu.vector_store %arg2[%swap3A_35, %swap3A_36, %swap3A_37], %swap3A_40 {strides = array<i32>} : memref<4x256x128xi32, #tpu.memory_space<vmem>>, vector<1x256x128xi32>,
    %slice3A_41 = vector.extract_strided_slice %or3A {offsets = [0, 384], sizes = [256, 128], strides = [1, 1]} : vector<256x512xi32> to vector<256x128xi32>
    %swap3A_42 = arith.constant 3 : index
    %swap3A_43 = arith.constant 0 : index
    %swap3A_44 = arith.constant 0 : index
    %swap3A_45 = vector.load %arg2[%swap3A_42, %swap3A_43, %swap3A_44] : memref<4x256x128xi32, #tpu.memory_space<vmem>>, vector<1x256x128xi32>
    %swap3A_46 = vector.shape_cast %swap3A_45 : vector<1x256x128xi32> to vector<256x128xi32>
    %swap3A_47 = vector.shape_cast %slice3A_41 : vector<256x128xi32> to vector<1x256x128xi32>
    tpu.vector_store %arg2[%swap3A_42, %swap3A_43, %swap3A_44], %swap3A_47 {strides = array<i32>} : memref<4x256x128xi32, #tpu.memory_space<vmem>>, vector<1x256x128xi32>,
    return
  }
  func.func @transform_0(%arg0: i32) -> (i32, i32, i32, i32) {
    %c0_i32 = arith.constant 0 : i32
    %c0_i32_0 = arith.constant 0 : i32
    %c0_i32_1 = arith.constant 0 : i32
    %c0_i32_2 = arith.constant 0 : i32
    return %arg0, %c0_i32, %c0_i32_0, %c0_i32_1 : i32, i32, i32, i32
  }
  func.func @transform_1(%arg0: i32) -> (i32, i32, i32) {
    %c0_i32 = arith.constant 0 : i32
    %c0_i32_0 = arith.constant 0 : i32
    %c0_i32_1 = arith.constant 0 : i32
    return %arg0, %c0_i32, %c0_i32_0 : i32, i32, i32
  }
}

module attributes {stable_mosaic.version = 14 : i64} {
  func.func @_tc_reduce_kernel(%arg0: memref<32x256x128xf32, #tpu.memory_space<vmem>>, %arg1: memref<1x1xf32, #tpu.memory_space<smem>>) attributes {dimension_semantics = [], scalar_prefetch = 0 : i64, scratch_operands = 0 : i64, tpu.core_type = #tpu.core_type<tc>} {
    %get3A = arith.constant 0 : index
    %get3A_0 = arith.constant 0 : index
    %get3A_1 = arith.constant 0 : index
    %get3A_2 = vector.load %arg0[%get3A, %get3A_0, %get3A_1] : memref<32x256x128xf32, #tpu.memory_space<vmem>>, vector<32x256x128xf32>
    %reshape3A = vector.shape_cast %get3A_2 : vector<32x256x128xf32> to vector<8x4x256x128xf32>
    %reduce_sum3A = arith.constant dense<0.000000e+00> : vector<8x256x128xf32>
    %reduce_sum3A_3 = vector.multi_reduction <add>, %reshape3A, %reduce_sum3A [1] : vector<8x4x256x128xf32> to vector<8x256x128xf32>
    %reshape3A_4 = vector.shape_cast %reduce_sum3A_3 : vector<8x256x128xf32> to vector<2048x128xf32>
    %iota3A = tpu.iota {dimensions = array<i32: 0>} : vector<128x128xi32>
    %iota3A_5 = tpu.iota {dimensions = array<i32: 1>} : vector<128x128xi32>
    %gt3A = arith.cmpi sgt, %iota3A, %iota3A_5 : vector<128x128xi32>
    %convert_element_type3A = arith.extui %gt3A : vector<128x128xi1> to vector<128x128xi32>
    %convert_element_type3A_6 = arith.sitofp %convert_element_type3A : vector<128x128xi32> to vector<128x128xf32>
    %lt3A = arith.cmpi slt, %iota3A, %iota3A_5 : vector<128x128xi32>
    %convert_element_type3A_7 = arith.extui %lt3A : vector<128x128xi1> to vector<128x128xi32>
    %convert_element_type3A_8 = arith.sitofp %convert_element_type3A_7 : vector<128x128xi32> to vector<128x128xf32>
    %dot_general3A = arith.constant dense<0.000000e+00> : vector<2048x128xf32>
    %dot_general3A_9 = tpu.matmul %reshape3A_4, %convert_element_type3A_6, %dot_general3A {dimension_numbers = #tpu.dot_dimension_numbers<[1], [0], [0], [1], [0, 0, 1, 1], [], []>, transpose_lhs_hint = false} : vector<2048x128xf32>, vector<128x128xf32>, vector<2048x128xf32> -> vector<2048x128xf32>
    %dot_general3A_10 = arith.constant dense<0.000000e+00> : vector<2048x128xf32>
    %dot_general3A_11 = tpu.matmul %reshape3A_4, %convert_element_type3A_8, %dot_general3A_10 {dimension_numbers = #tpu.dot_dimension_numbers<[1], [0], [0], [1], [0, 0, 1, 1], [], []>, transpose_lhs_hint = false} : vector<2048x128xf32>, vector<128x128xf32>, vector<2048x128xf32> -> vector<2048x128xf32>
    %reduce_sum3A_12 = arith.constant dense<0.000000e+00> : vector<8x256xf32>
    %reduce_sum3A_13 = vector.multi_reduction <add>, %reduce_sum3A_3, %reduce_sum3A_12 [2] : vector<8x256x128xf32> to vector<8x256xf32>
    %iota3A_14 = tpu.iota {dimensions = array<i32: 0>} : vector<256x256xi32>
    %iota3A_15 = tpu.iota {dimensions = array<i32: 1>} : vector<256x256xi32>
    %gt3A_16 = arith.cmpi sgt, %iota3A_14, %iota3A_15 : vector<256x256xi32>
    %convert_element_type3A_17 = arith.extui %gt3A_16 : vector<256x256xi1> to vector<256x256xi32>
    %convert_element_type3A_18 = arith.sitofp %convert_element_type3A_17 : vector<256x256xi32> to vector<256x256xf32>
    %lt3A_19 = arith.cmpi slt, %iota3A_14, %iota3A_15 : vector<256x256xi32>
    %convert_element_type3A_20 = arith.extui %lt3A_19 : vector<256x256xi1> to vector<256x256xi32>
    %convert_element_type3A_21 = arith.sitofp %convert_element_type3A_20 : vector<256x256xi32> to vector<256x256xf32>
    %dot_general3A_22 = arith.constant dense<0.000000e+00> : vector<8x256xf32>
    %dot_general3A_23 = tpu.matmul %reduce_sum3A_13, %convert_element_type3A_18, %dot_general3A_22 {dimension_numbers = #tpu.dot_dimension_numbers<[1], [0], [0], [1], [0, 0, 1, 1], [], []>, transpose_lhs_hint = false} : vector<8x256xf32>, vector<256x256xf32>, vector<8x256xf32> -> vector<8x256xf32>
    %dot_general3A_24 = arith.constant dense<0.000000e+00> : vector<8x256xf32>
    %dot_general3A_25 = tpu.matmul %reduce_sum3A_13, %convert_element_type3A_21, %dot_general3A_24 {dimension_numbers = #tpu.dot_dimension_numbers<[1], [0], [0], [1], [0, 0, 1, 1], [], []>, transpose_lhs_hint = false} : vector<8x256xf32>, vector<256x256xf32>, vector<8x256xf32> -> vector<8x256xf32>
    %reshape3A_26 = vector.shape_cast %dot_general3A_9 : vector<2048x128xf32> to vector<8x256x128xf32>
    %broadcast_in_dim3A = vector.shape_cast %dot_general3A_23 : vector<8x256xf32> to vector<8x256x1xf32>
    %add3A = vector.broadcast %broadcast_in_dim3A : vector<8x256x1xf32> to vector<8x256x128xf32>
    %add3A_27 = arith.addf %reshape3A_26, %add3A : vector<8x256x128xf32>
    %reshape3A_28 = vector.shape_cast %dot_general3A_11 : vector<2048x128xf32> to vector<8x256x128xf32>
    %broadcast_in_dim3A_29 = vector.shape_cast %dot_general3A_25 : vector<8x256xf32> to vector<8x256x1xf32>
    %add3A_30 = vector.broadcast %broadcast_in_dim3A_29 : vector<8x256x1xf32> to vector<8x256x128xf32>
    %add3A_31 = arith.addf %reshape3A_28, %add3A_30 : vector<8x256x128xf32>
    %iota3A_32 = tpu.iota {dimensions = array<i32: 0>} : vector<256x128xi32>
    %iota3A_33 = tpu.iota {dimensions = array<i32: 1>} : vector<256x128xi32>
    %mul3A = arith.constant 128 : i32
    %mul3A_34 = vector.broadcast %mul3A : i32 to vector<256x128xi32>
    %mul3A_35 = arith.muli %iota3A_32, %mul3A_34 : vector<256x128xi32>
    %add3A_36 = arith.addi %mul3A_35, %iota3A_33 : vector<256x128xi32>
    %convert_element_type3A_37 = arith.sitofp %add3A_36 : vector<256x128xi32> to vector<256x128xf32>
    %add3A_38 = arith.constant 5.000000e-01 : f32
    %add3A_39 = vector.broadcast %add3A_38 : f32 to vector<256x128xf32>
    %add3A_40 = arith.addf %convert_element_type3A_37, %add3A_39 : vector<256x128xf32>
    %mul3A_41 = arith.constant 6.10351563E-4 : f32
    %mul3A_42 = vector.broadcast %mul3A_41 : f32 to vector<256x128xf32>
    %mul3A_43 = arith.mulf %add3A_40, %mul3A_42 : vector<256x128xf32>
    %add3A_44 = arith.constant -1.000000e+01 : f32
    %add3A_45 = vector.broadcast %add3A_44 : f32 to vector<256x128xf32>
    %add3A_46 = arith.addf %add3A_45, %mul3A_43 : vector<256x128xf32>
    %neg3A = arith.constant 0.000000e+00 : f32
    %neg3A_47 = vector.broadcast %neg3A : f32 to vector<256x128xf32>
    %neg3A_48 = arith.subf %neg3A_47, %add3A_46 : vector<256x128xf32>
    %exp3A = math.exp %neg3A_48 : vector<256x128xf32>
    %add3A_49 = arith.constant 1.000000e+00 : f32
    %add3A_50 = vector.broadcast %add3A_49 : f32 to vector<256x128xf32>
    %add3A_51 = arith.addf %add3A_50, %exp3A : vector<256x128xf32>
    %div3A = arith.constant 1.000000e+00 : f32
    %div3A_52 = vector.broadcast %div3A : f32 to vector<256x128xf32>
    %div3A_53 = arith.divf %div3A_52, %add3A_51 : vector<256x128xf32>
    %broadcast_in_dim3A_54 = vector.shape_cast %div3A_53 : vector<256x128xf32> to vector<1x256x128xf32>
    %exp3A_55 = math.exp %add3A_46 : vector<256x128xf32>
    %add3A_56 = arith.constant 1.000000e+00 : f32
    %add3A_57 = vector.broadcast %add3A_56 : f32 to vector<256x128xf32>
    %add3A_58 = arith.addf %add3A_57, %exp3A_55 : vector<256x128xf32>
    %div3A_59 = arith.constant 1.000000e+00 : f32
    %div3A_60 = vector.broadcast %div3A_59 : f32 to vector<256x128xf32>
    %div3A_61 = arith.divf %div3A_60, %add3A_58 : vector<256x128xf32>
    %broadcast_in_dim3A_62 = vector.shape_cast %div3A_61 : vector<256x128xf32> to vector<1x256x128xf32>
    %mul3A_63 = arith.constant -0.00400802121 : f32
    %mul3A_64 = vector.broadcast %mul3A_63 : f32 to vector<8x256x128xf32>
    %mul3A_65 = arith.mulf %add3A_27, %mul3A_64 : vector<8x256x128xf32>
    %exp3A_66 = math.exp %mul3A_65 : vector<8x256x128xf32>
    %mul3A_67 = vector.broadcast %broadcast_in_dim3A_54 : vector<1x256x128xf32> to vector<8x256x128xf32>
    %mul3A_68 = arith.mulf %mul3A_67, %exp3A_66 : vector<8x256x128xf32>
    %mul3A_69 = arith.constant -0.00400802121 : f32
    %mul3A_70 = vector.broadcast %mul3A_69 : f32 to vector<8x256x128xf32>
    %mul3A_71 = arith.mulf %reduce_sum3A_3, %mul3A_70 : vector<8x256x128xf32>
    %exp3A_72 = math.exp %mul3A_71 : vector<8x256x128xf32>
    %sub3A = arith.constant 1.000000e+00 : f32
    %sub3A_73 = vector.broadcast %sub3A : f32 to vector<8x256x128xf32>
    %sub3A_74 = arith.subf %sub3A_73, %exp3A_72 : vector<8x256x128xf32>
    %mul3A_75 = arith.mulf %mul3A_68, %sub3A_74 : vector<8x256x128xf32>
    %mul3A_76 = arith.constant -0.00100050028 : f32
    %mul3A_77 = vector.broadcast %mul3A_76 : f32 to vector<8x256x128xf32>
    %mul3A_78 = arith.mulf %add3A_31, %mul3A_77 : vector<8x256x128xf32>
    %exp3A_79 = math.exp %mul3A_78 : vector<8x256x128xf32>
    %mul3A_80 = vector.broadcast %broadcast_in_dim3A_62 : vector<1x256x128xf32> to vector<8x256x128xf32>
    %mul3A_81 = arith.mulf %mul3A_80, %exp3A_79 : vector<8x256x128xf32>
    %mul3A_82 = arith.constant -0.00100050028 : f32
    %mul3A_83 = vector.broadcast %mul3A_82 : f32 to vector<8x256x128xf32>
    %mul3A_84 = arith.mulf %reduce_sum3A_3, %mul3A_83 : vector<8x256x128xf32>
    %exp3A_85 = math.exp %mul3A_84 : vector<8x256x128xf32>
    %sub3A_86 = arith.constant 1.000000e+00 : f32
    %sub3A_87 = vector.broadcast %sub3A_86 : f32 to vector<8x256x128xf32>
    %sub3A_88 = arith.subf %sub3A_87, %exp3A_85 : vector<8x256x128xf32>
    %mul3A_89 = arith.mulf %mul3A_81, %sub3A_88 : vector<8x256x128xf32>
    %reshape3A_90 = vector.shape_cast %mul3A_75 : vector<8x256x128xf32> to vector<8x32768xf32>
    %reduce_sum3A_91 = arith.constant dense<0.000000e+00> : vector<8xf32>
    %reduce_sum3A_92 = vector.multi_reduction <add>, %reshape3A_90, %reduce_sum3A_91 [1] : vector<8x32768xf32> to vector<8xf32>
    %broadcast_in_dim3A_93 = vector.shape_cast %reduce_sum3A_92 : vector<8xf32> to vector<8x1xf32>
    %div3A_94 = arith.constant 1.000000e+00 : f32
    %div3A_95 = vector.broadcast %div3A_94 : f32 to vector<8x1xf32>
    %div3A_96 = arith.divf %broadcast_in_dim3A_93, %div3A_95 : vector<8x1xf32>
    %reshape3A_97 = vector.shape_cast %mul3A_89 : vector<8x256x128xf32> to vector<8x32768xf32>
    %reduce_sum3A_98 = arith.constant dense<0.000000e+00> : vector<8xf32>
    %reduce_sum3A_99 = vector.multi_reduction <add>, %reshape3A_97, %reduce_sum3A_98 [1] : vector<8x32768xf32> to vector<8xf32>
    %broadcast_in_dim3A_100 = vector.shape_cast %reduce_sum3A_99 : vector<8xf32> to vector<8x1xf32>
    %div3A_101 = arith.constant 1.000000e+00 : f32
    %div3A_102 = vector.broadcast %div3A_101 : f32 to vector<8x1xf32>
    %div3A_103 = arith.divf %broadcast_in_dim3A_100, %div3A_102 : vector<8x1xf32>
    %log3A = math.log %div3A_96 : vector<8x1xf32>
    %log3A_104 = math.log %div3A_103 : vector<8x1xf32>
    %add3A_105 = arith.addf %log3A, %log3A_104 : vector<8x1xf32>
    %reduce_sum3A_106 = vector.shape_cast %add3A_105 : vector<8x1xf32> to vector<1x8x1xf32>
    %reduce_sum3A_107 = arith.constant dense<0.000000e+00> : vector<1xf32>
    %reduce_sum3A_108 = vector.multi_reduction <add>, %reduce_sum3A_106, %reduce_sum3A_107 [1, 2] : vector<1x8x1xf32> to vector<1xf32>
    %reduce_sum3A_109 = vector.shape_cast %reduce_sum3A_108 : vector<1xf32> to vector<1x1x1xf32>
    %reduce_sum3A_110 = vector.extract %reduce_sum3A_109[0, 0, 0] : f32 from vector<1x1x1xf32>
    %neg3A_111 = arith.constant 0.000000e+00 : f32
    %neg3A_112 = arith.subf %neg3A_111, %reduce_sum3A_110 : f32
    %div3A_113 = arith.constant 8.000000e+00 : f32
    %div3A_114 = arith.divf %neg3A_112, %div3A_113 : f32
    %swap3A = arith.constant 0 : index
    %swap3A_115 = arith.constant 0 : index
    %swap3A_116 = memref.load %arg1[%swap3A, %swap3A_115] : memref<1x1xf32, #tpu.memory_space<smem>>
    memref.store %div3A_114, %arg1[%swap3A, %swap3A_115] : memref<1x1xf32, #tpu.memory_space<smem>>
    return
  }
}

</mosaic_0001>

<sc_bundles>
// kernel: kernel.5.cloned.1.call-start
scs
__scs_entry_jumppad:
0x0: {  	(pc) =	sbr.rel $0x88, $3  }
0x1: {  	(tag) =	ssettag $0x0;
	lr =	simm.s32 $0x1  }
0x2: {  	[smem:$0x3FA0] =	sst lr;
	_ =	strace $0xD0000000  }
0x3: {  	_ = 	snop  }
0x4: {  	_ = 	snop  }
0x5: {  	_ = 	snop  }
0x6: {  	_ = 	snop  }
0x7: {  	_ = 	snop  }
__scs_overlays_trampoline_lowered:
0x8: {  	[smem:$0x3FAF] =	sst s0  }
0x9: {  	[smem:$0x3FB0] =	sst s1  }
0xa: {  	[smem:$0x3FB1] =	sst s2  }
0xb: {  	[smem:$0x3FB2] =	sst s3  }
0xc: {  	[smem:$0x3FB3] =	sst s4  }
0xd: {  	[smem:$0x3FB4] =	sst s5  }
0xe: {  	[smem:$0x3FB5] =	sst s6  }
0xf: {  	[smem:$0x3FB6] =	sst s7  }
0x10: {  	[smem:$0x3FB7] =	sst s8  }
0x11: {  	[smem:$0x3FB8] =	sst s9;
	s0 =	simm.s32 @!p0 $0x0  }
0x12: {  	s1 =	sld [smem:$0x3F9E];
	s0 =	simm.s32 @p0 $0x1  }
0x13: {  	[smem:$0x3FB9] =	sst s0;
	s0 =	simm.s32 @!p1 $0x0  }
0x14: {  	s2 =	sld [smem:$0x3F9D];
	s0 =	simm.s32 @p1 $0x1  }
0x15: {  	[smem:$0x3FBA] =	sst s0;
	s0 =	simm.s32 @!p2 $0x0  }
0x16: {  	s3 =	sld [smem:$0x3FDB];
	s0 =	simm.s32 @p2 $0x1  }
0x17: {  	s4 =	simm.s32 $0x1BF5;
	[smem:$0x3FBC] =	sst s0  }
0x18: {  	s0 =	sld [smem:$0x3F9F];
	_ =	swait.ge [sflag:s4], $0x0  }
0x19: {  	s7 =	sld [smem:$0x3FA0]  }
0x1a: {  	s8 =	sadd.s32 $0xFFFFE003, lr  }
0x1b: {  	s9 =	sadd.s32 $0xFFFFFEF7, lr;
	s5 =	simm.s32 $0xFFFFFFFF;
	p2 =	slt.u32 s8, $0xFFFFF086  }
0x1c: {  	p1 =	slt.u32 s9, $0xF7A;
	s5 =	simm.s32 @!p2 $0x0  }
0x1d: {  	s5 =	simm.s32 @p1 $0x1;
	p0 =	seq.s32 s7, s2  }
0x1e: {  	s7 =	smul.u32 @!p0 $0xF7A, s2;
	p2 =	seq.s32 @!p0 s5, $0x0  }
0x1f: {  	s9 =	smul.u32 $0xF7A, s1;
	s8 =	simm.s32 @!p0 $0x1BF5;
	p2 =	por !p2, p0  }
0x20: {  	[sflag:s8] =	ssyncset.s32 @!p0 $0xFFFFF086;
	s6 =	sadd.s32 @!p0 s3, s7;
	s7 =	simm.s32 @!p0 $0x108  }
0x21: {  	s3 =	sadd.s32 s3, s9;
	s6 =	sadd.s32 @!p0 $0x88, s6;
	s7 =	simm.s32 @p2 $0x1082  }
0x22: {  	[simem:s7], [sflag:s8] =	dma.local @!p0 [hbm:s6], $0xF7A  }
0x23: {  	s9 =	sor.u32 $0xD0000000, s2;
	s6 =	simm.s32 $0x108;
	_ =	swait.ge @!p0 [sflag:s8], $0x0  }
0x24: {  	s3 =	sadd.s32 $0x88, s3;
	s6 =	simm.s32 @!p1 $0x1082;
	[sflag:s4] =	ssyncset.s32 $0xFFFFF086  }
0x25: {  	[simem:s6], [sflag:s4] =	dma.local [hbm:s3], $0xF7A  }
0x26: {  	[smem:$0x3FA0] =	sst s1;
	(tag) =	ssettag s2;
	_ =	strace s9  }
0x27: {  	s1 =	sld [smem:$0x3FB0]  }
0x28: {  	s2 =	sld [smem:$0x3FB1]  }
0x29: {  	s4 =	sld [smem:$0x3FB3]  }
0x2a: {  	p0 =	seq.s32 s5, $0x0;
	s5 =	sld [smem:$0x3FB4]  }
0x2b: {  	s6 =	sld [smem:$0x3FB5]  }
0x2c: {  	s7 =	sld [smem:$0x3FB6]  }
0x2d: {  	s3 =	simm.s32 $0x108;
	s8 =	sld [smem:$0x3FB7]  }
0x2e: {  	s3 =	simm.s32 @!p0 $0x1082;
	s9 =	sld [smem:$0x3FB8]  }
0x2f: {  	lr =	sadd.s32 s0, s3;
	s0 =	sld [smem:$0x3FAF]  }
0x30: {  	s3 =	sld [smem:$0x3FB2]  }
0x31: {  	[smem:$0x3FBB] =	sst s10  }
0x32: {  	s10 =	sld [smem:$0x3FB9];
	_ =	sdelay $0x3  }
0x33: {  	p0 =	seq.s32 s10, $0x1;
	s10 =	sld [smem:$0x3FBB];
	_ =	sdelay $0x3  }
0x34: {  	[smem:$0x3FBB] =	sst s10  }
0x35: {  	s10 =	sld [smem:$0x3FBA];
	_ =	sdelay $0x3  }
0x36: {  	p1 =	seq.s32 s10, $0x1;
	s10 =	sld [smem:$0x3FBB];
	_ =	sdelay $0x3  }
0x37: {  	[smem:$0x3FBB] =	sst s10  }
0x38: {  	s10 =	sld [smem:$0x3FBC]  }
0x39: {  	_ = 	snop;
	(pc) =	sbr.ind lr, $3  }
0x3a: {  	_ = 	snop  }
0x3b: {  	_ = 	snop  }
0x3c: {  	p2 =	seq.s32 s10, $0x1;
	s10 =	sld [smem:$0x3FBB]  }
0x3d: {  	_ =	shalt  }
0x3e: {  	_ =	shalt  }
0x3f: {  	_ =	shalt  }
0x40: {  	_ =	shalt  }
0x41: {  	_ =	shalt  }
0x42: {  	_ =	shalt  }
0x43: {  	_ =	shalt  }
0x44: {  	_ =	shalt  }
0x45: {  	_ =	shalt  }
0x46: {  	_ =	shalt  }
0x47: {  	_ =	shalt  }
0x48: {  	_ =	shalt  }
0x49: {  	_ =	shalt  }
0x4a: {  	_ =	shalt  }
0x4b: {  	_ =	shalt  }
0x4c: {  	_ =	shalt  }
0x4d: {  	_ =	shalt  }
0x4e: {  	_ =	shalt  }
0x4f: {  	_ =	shalt  }
0x50: {  	_ =	shalt  }
0x51: {  	_ =	shalt  }
0x52: {  	_ =	shalt  }
0x53: {  	_ =	shalt  }
0x54: {  	_ =	shalt  }
0x55: {  	_ =	shalt  }
0x56: {  	_ =	shalt  }
0x57: {  	_ =	shalt  }
0x58: {  	_ =	shalt  }
0x59: {  	_ =	shalt  }
0x5a: {  	_ =	shalt  }
0x5b: {  	_ =	shalt  }
0x5c: {  	_ =	shalt  }
0x5d: {  	_ =	shalt  }
0x5e: {  	_ =	shalt  }
0x5f: {  	_ =	shalt  }
0x60: {  	_ =	shalt  }
0x61: {  	_ =	shalt  }
0x62: {  	_ =	shalt  }
0x63: {  	_ =	shalt  }
0x64: {  	_ =	shalt  }
0x65: {  	_ =	shalt  }
0x66: {  	_ =	shalt  }
0x67: {  	_ =	shalt  }
0x68: {  	_ =	shalt  }
0x69: {  	_ =	shalt  }
0x6a: {  	_ =	shalt  }
0x6b: {  	_ =	shalt  }
0x6c: {  	_ =	shalt  }
0x6d: {  	_ =	shalt  }
0x6e: {  	_ =	shalt  }
0x6f: {  	_ =	shalt  }
0x70: {  	_ =	shalt  }
0x71: {  	_ =	shalt  }
0x72: {  	_ =	shalt  }
0x73: {  	_ =	shalt  }
0x74: {  	_ =	shalt  }
0x75: {  	_ =	shalt  }
0x76: {  	_ =	shalt  }
0x77: {  	_ =	shalt  }
0x78: {  	_ =	shalt  }
0x79: {  	_ =	shalt  }
0x7a: {  	_ =	shalt  }
0x7b: {  	_ =	shalt  }
0x7c: {  	_ =	shalt  }
0x7d: {  	_ =	shalt  }
0x7e: {  	_ =	shalt  }
0x7f: {  	_ =	shalt  }
0x80: {  	_ =	shalt  }
0x81: {  	_ =	shalt  }
0x82: {  	_ =	shalt  }
0x83: {  	_ =	shalt  }
0x84: {  	_ =	shalt  }
0x85: {  	_ =	shalt  }
0x86: {  	_ =	shalt  }
0x87: {  	_ =	shalt  }
.Lfunc_end0:
.L_simem_size_0:
called_computation_lowered:
.L_overlay_start_0:
0x88: {  	s2 =	sld [smem:$0x3FD9]  }
0x89: {  	s3 =	sld [smem:$0x3FFE];
	_ =	sdelay $0x1  }
0x8a: {  	s1 =	srdreg.scid  }
0x8b: {  	s0 =	sand.u32 $0x1, s1  }
0x8c: {  	s16 =	sshll.u32 s0, $0xA;
	s2 =	sadd.s32 s3, s2  }
0x8d: {  	s2 =	sadd.s32 s2, s16  }
0x8e: {  	[smem:$0x3FC7] =	sst s2  }
0x8f: {  	_ = 	snop  }
0x90: {  	(tm) =	ssettm $0x1  }
0x91: {  	s17 =	sld [smem:$0x3FFB];
	_ =	sdelay $0x3  }
0x92: {  	_ =	strace s17  }
0x93: {  	s2 =	sld [smem:$0x3FFC];
	_ =	sdelay $0x3  }
0x94: {  	_ =	strace s2  }
0x95: {  	s2 =	sld [smem:$0x3FFD];
	_ =	sdelay $0x3  }
0x96: {  	_ =	strace s2  }
0x97: {  	_ =	strace $0x8FFFFFFF  }
0x98: {  	s18 =	sld [smem:$0x3FDB];
	_ =	sdelay $0x1  }
0x99: {  	s19 =	simm.s32 $_scs_section_size  }
0x9a: {  	s4 =	simm.s32 $_size__tile_overlayer_lowered;
	s5 =	simm.s32 $_tile_overlayer_lowered  }
0x9b: {  	s22 =	simm.s32 $0x1BFF;
	s21 =	sshll.u32 s5, $0x1;
	s2 =	sadd.s32 s19, s18  }
0x9c: {  	s6 =	simm.s32 $0x0;
	s20 =	sshll.u32 s4, $0x1;
	s4 =	sadd.s32 s21, s2  }
0x9d: {  	[timem:s6], [sflag:s22] =	dma.local [hbm:s4], s20  }
0x9e: {  	_ =	swait.ge [sflag:s22], s20  }
0x9f: {  	s3 =	ssub.s32 $0x0, s20;
	[sflag:s22] =	ssyncset.done $0x0  }
0xa0: {  	[sflag:s22] =	ssyncadd.s32 s3;
	_ =	sdelay $0x1  }
0xa1: {  	s23 =	simm.s32 $0x1B8B  }
0xa2: {  	_ =	swait.ge [sflag:s23], $0x1  }
0xa3: {  	[sflag:s23] =	ssyncset.done $0x0  }
0xa4: {  	s25 =	simm.s32 $0x1B8E;
	s24 =	sld [smem:$0x3FFE];
	[sflag:s23] =	ssyncadd.s32 $0xFFFFFFFF  }
0xa5: {  	s26 =	simm.s32 $execute0_lowered;
	[smem:$0x3FD2] =	sst s25  }
0xa6: {  	s4 =	sshll.u32 s26, $0x1;
	_ =	strace $0x80000046;
	[dreg:$0x1] =	wrdreg $0xFFFFFFFF  }
0xa7: {  	s28 =	simm.s32 $_size_execute0_lowered;
	s2 =	sadd.s32 s2, s4;
	[dreg:$0x0] =	wrdreg $0x0  }
0xa8: {  	s4 =	sshll.u32 s28, $0x1;
	[dreg:$0x2] =	wrdreg s2  }
0xa9: {  	[dreg:$0x3] =	wrdreg s4  }
0xaa: {  	[dreg:$0x4] =	wrdreg $0xC0  }
0xab: {  	_ =	task [dreg:s6], $0x5FFFF  }
0xac: {  	[dreg:$0x1] =	wrdreg $0xFFFFFFFF  }
0xad: {  	[dreg:$0x0] =	wrdreg $0x60  }
0xae: {  	[dreg:$0x2] =	wrdreg s24  }
0xaf: {  	[dreg:$0x3] =	wrdreg $0x9  }
0xb0: {  	_ =	task.clear_ibuf [dreg:s6], $0x4FFFF;
	_ =	strace $0x90000046  }
0xb1: {  	s29 =	simm.s32 $0x9;
	_ =	strace $0x80000048  }
0xb2: {  	_ =	swait.ge [sflag:s29], $0x1  }
0xb3: {  	[sflag:s29] =	ssyncadd.s32 $0xFFFFFFFF  }
0xb4: {  	_ =	strace $0x90000048  }
0xb5: {  	_ =	sfence  }
0xb6: {  	s30 =	sld [smem:$0x0];
	_ =	sdelay $0x2  }
0xb7: {  	s31 =	sshll.u32 s1, $0xD;
	s1 =	sshrl.u32 s1, $0x2  }
0xb8: {  	s3 =	sand.u32 $0x4000, s31;
	s1 =	sadd.s32 s1, s30  }
0xb9: {  	s0 =	sor.u32 s3, s0;
	s1 =	sshll.u32 s1, $0x11  }
0xba: {  	s0 =	sor.u32 s1, s0  }
0xbb: {  	s0 =	sadd.s32 $0x8F2B, s0  }
0xbc: {  	[sflag:s0] =	ssyncadd.remote.s32 $0x1  }
0xbd: {  	_ =	sfence.sel $0xFFFF  }
0xbe: {  	[dreg:$0x0] =	wrdreg $0xFFFFFFFF;
	(pc) =	sbr.abs _section_cstart, $3  }
0xbf: {  	[dreg:$0x1] =	wrdreg $0xFFFFFFFF  }
0xc0: {  	_ =	task.clear_ibuf [dreg:s6], $0x2FFFF;
	_ =	strace $0x9FFFFFFF  }
0xc1: {  	(tm) =	ssettm $0x7FFFFFFF  }
tec
execute0_lowered:
.L_overlay_start_1:
0x0: {  	(tag) =	ssettag $0x1  }
0x1: {  	s3 =	rddreg [dreg:$0x0]  }
0x2: {  	s0 =	rddreg [dreg:$0x1];
	s2 =	simm.s32 $0x0;
	s4 =	srdreg.scid  }
0x3: {  	s1 =	stileid.u32;
	s10 =	simm.s32 $0xA000;
	s11 =	simm.s32 $0x1  }
0x4: {  	s12 =	simm.s32 $0x2;
	s13 =	simm.s32 $0x80;
	s14 =	simm.s32 $0x400  }
0x5: {  	s15 =	simm.s32 $0x3;
	s16 =	simm.s32 $0x0;
	[smem:$0x7FF] =	sst s2  }
0x6: {  	s4 =	sand.u32 $0x1, s4;
	s6 =	sshll.u32 s1, $0xC;
	s31 =	sshll.u32 s1, $0x4  }
0x7: {  	_ =	strace $0x80000047;
	s5 =	sshll.u32 s4, $0x10;
	s4 =	ssub.s32 $0x2, s4  }
0x8: {  	s5 =	sor.u32 s6, s5;
	s6 =	sand.u32 $0x70, s31;
	s8 =	sshrl.u32 s4, $0x1  }
0x9: {  	s7 =	sadd.s32 s5, s3;
	s6 =	sadd.s32 s6, s3;
	s8 =	ssub.s32 s4, s8  }
0xa: {  	s5 =	sand.u32 $0x18000, s5;
	s3 =	sadd.s32 $0x800, s7;
	s4 =	sadd.s32 $0xC00, s7  }
0xb: {  	s9 =	sadd.s32 s5, s6;
	s5 =	sadd.s32 $0x1000, s7;
	s6 =	sadd.s32 $0x1400, s7  }
0xc: {  	v0 =	vimm.f32 $0.0e+00;
	v1 =	vimm.f32 $1.000000000e+00;
	s8 =	smax.u32 s8, $0x1;
	s7 =	sadd.s32 $0x20800, s9;
	s9 =	simm.s32 $0x8000  }
.LBB2_1:
0xd: {  	[tilespmem:s9], [sflag:$0x1] =	stream.linear.gather [hbm4b:s3+s2], $0x2000, $0x38;
	[tilespmem:$0xC000] =	vst v63  }
0xe: {  	s17 =	simm.s32 $0x40  }
0xf: {  	[tilespmem:s10], [sflag:$0x2] =	stream.linear.gather [hbm4b:s4+s2], $0x2000, $0x38;
	[tilespmem:$0xC000] =	vst v63  }
0x10: {  	[tilespmem:s17+$0xFFFFFFC0] =	vst v0  }
0x11: {  	[tilespmem:s17+$0x30] =	vst v0  }
0x12: {  	[tilespmem:s17+$0x20] =	vst v0  }
0x13: {  	[tilespmem:s17+$0x10] =	vst v0  }
0x14: {  	[tilespmem:s17+$0x0] =	vst v0  }
0x15: {  	[tilespmem:s17+$0xFFFFFFF0] =	vst v0  }
0x16: {  	s18 =	simm.s32 $0x0;
	[tilespmem:s17+$0xFFFFFFE0] =	vst v0  }
.LBB2_2:
0x17: {  	s18 =	sadd.s32 $0x8, s18;
	[tilespmem:s17+$0xFFFFFFD0] =	vst v0;
	s17 =	sadd.s32 $0x80, s17  }
0x18: {  	[tilespmem:s17+$0xFFFFFFC0] =	vst v0;
	p0 =	slt.u32 s18, $0x7F8  }
0x19: {  	[tilespmem:s17+$0x30] =	vst v0  }
.Ltmp0:
0x1a: {  	[tilespmem:s17+$0x20] =	vst v0;
	(pc) =	sbr.rel @p0 .LBB2_2-.Ltmp0, $4  }
0x1b: {  	[tilespmem:s17+$0x10] =	vst v0  }
0x1c: {  	[tilespmem:s17+$0x0] =	vst v0  }
0x1d: {  	[tilespmem:s17+$0xFFFFFFF0] =	vst v0  }
0x1e: {  	[tilespmem:s17+$0xFFFFFFE0] =	vst v0  }
0x1f: {  	[tilespmem:s17+$0xFFFFFFD0] =	vst v0  }
0x20: {  	_ =	swait.ge [sflag:s11], $0x2000  }
0x21: {  	[sflag:s11] =	ssyncset.done $0x0  }
0x22: {  	s31 =	simm.s32 $0x8040;
	[sflag:s11] =	ssyncadd.s32 $0xFFFFE000  }
0x23: {  	v2 =	vld [tilespmem:s31+$0x30]  }
0x24: {  	v3 =	vld [tilespmem:s31+$0xFFFFFFD0]  }
0x25: {  	v4 =	vld [tilespmem:s31+$0xFFFFFFE0]  }
0x26: {  	v5 =	vld [tilespmem:s31+$0xFFFFFFF0];
	_ =	sdelay $0x1  }
0x27: {  	v6 =	vand.u32 $0xFFFF, v2  }
0x28: {  	v10 =	vld [tilespmem:s31+$0x10];
	v8 =	vand.u32 $0xFFFF, v3  }
0x29: {  	v7 =	vld [tilespmem:s31+$0x0];
	v12 =	vand.u32 $0xFFFF, v4  }
0x2a: {  	v9 =	vld [tilespmem:s31+$0xFFFFFFC0];
	v60 =	vand.u32 $0xFFFF, v5  }
0x2b: {  	v11 =	vld [tilespmem:s31+$0x20];
	v2 =	vshrl.u32 v2, $0x10  }
0x2c: {  	v3 =	vshrl.u32 v3, $0x10;
	[tilespmem:v6+s2+$0x0] =	vst.idx.add.f32.msk $0xffff, v1  }
0x2d: {  	v62 =	vand.u32 $0xFFFF, v10;
	[tilespmem:v8+s2+$0x0] =	vst.idx.add.f32.msk $0xffff, v1  }
0x2e: {  	v4 =	vshrl.u32 v4, $0x10;
	[tilespmem:v12+s2+$0x0] =	vst.idx.add.f32.msk $0xffff, v1  }
0x2f: {  	v63 =	vshrl.u32 v10, $0x10;
	[tilespmem:v60+s2+$0x0] =	vst.idx.add.f32.msk $0xffff, v1  }
0x30: {  	[tilespmem:v2+s2+$0x0] =	vst.idx.add.f32.msk $0xffff, v1;
	v2 =	vand.u32 $0xFFFF, v9  }
0x31: {  	[tilespmem:v3+s2+$0x0] =	vst.idx.add.f32.msk $0xffff, v1;
	v3 =	vshrl.u32 v5, $0x10  }
0x32: {  	[tilespmem:v62+s2+$0x0] =	vst.idx.add.f32.msk $0xffff, v1;
	v5 =	vand.u32 $0xFFFF, v7  }
0x33: {  	v61 =	vshrl.u32 v9, $0x10;
	[tilespmem:v4+s2+$0x0] =	vst.idx.add.f32.msk $0xffff, v1  }
0x34: {  	v4 =	vshrl.u32 v7, $0x10;
	[tilespmem:v63+s2+$0x0] =	vst.idx.add.f32.msk $0xffff, v1  }
0x35: {  	[tilespmem:v2+s2+$0x0] =	vst.idx.add.f32.msk $0xffff, v1  }
0x36: {  	[tilespmem:v3+s2+$0x0] =	vst.idx.add.f32.msk $0xffff, v1  }
0x37: {  	[tilespmem:v5+s2+$0x0] =	vst.idx.add.f32.msk $0xffff, v1  }
0x38: {  	[tilespmem:v61+s2+$0x0] =	vst.idx.add.f32.msk $0xffff, v1  }
0x39: {  	s17 =	simm.s32 $0x0;
	s18 =	simm.s32 $0x80C0;
	v2 =	vshrl.u32 v11, $0x10;
	v3 =	vand.u32 $0xFFFF, v11;
	[tilespmem:v4+s2+$0x0] =	vst.idx.add.f32.msk $0xffff, v1  }
.LBB2_4:
0x3a: {  	v4 =	vld [tilespmem:s18+$0x30]  }
0x3b: {  	s17 =	sadd.s32 $0x8, s17;
	v5 =	vld [tilespmem:s18+$0xFFFFFFD0]  }
0x3c: {  	p0 =	slt.u32 s17, $0x1F8;
	v6 =	vld [tilespmem:s18+$0xFFFFFFE0]  }
0x3d: {  	v7 =	vld [tilespmem:s18+$0xFFFFFFF0]  }
0x3e: {  	v8 =	vld [tilespmem:s18+$0x0]  }
0x3f: {  	v9 =	vld [tilespmem:s18+$0x10];
	v10 =	vand.u32 $0xFFFF, v4  }
0x40: {  	v4 =	vshrl.u32 v4, $0x10;
	v11 =	vshrl.u32 v5, $0x10;
	v5 =	vand.u32 $0xFFFF, v5;
	v12 =	vld [tilespmem:s18+$0x20]  }
0x41: {  	v13 =	vld [tilespmem:s18+$0xFFFFFFC0];
	v14 =	vshrl.u32 v6, $0x10;
	v6 =	vand.u32 $0xFFFF, v6  }
0x42: {  	v15 =	vshrl.u32 v7, $0x10;
	v7 =	vand.u32 $0xFFFF, v7;
	[tilespmem:v3+s2+$0x0] =	vst.idx.add.f32.msk $0xffff, v1  }
0x43: {  	v16 =	vshrl.u32 v8, $0x10;
	v8 =	vand.u32 $0xFFFF, v8;
	[tilespmem:v2+s2+$0x0] =	vst.idx.add.f32.msk $0xffff, v1  }
0x44: {  	v17 =	vshrl.u32 v9, $0x10;
	v9 =	vand.u32 $0xFFFF, v9;
	[tilespmem:v10+s2+$0x0] =	vst.idx.add.f32.msk $0xffff, v1  }
0x45: {  	v2 =	vshrl.u32 v12, $0x10;
	v3 =	vand.u32 $0xFFFF, v12;
	[tilespmem:v4+s2+$0x0] =	vst.idx.add.f32.msk $0xffff, v1  }
0x46: {  	v4 =	vshrl.u32 v13, $0x10;
	v10 =	vand.u32 $0xFFFF, v13;
	[tilespmem:v5+s2+$0x0] =	vst.idx.add.f32.msk $0xffff, v1  }
0x47: {  	[tilespmem:v11+s2+$0x0] =	vst.idx.add.f32.msk $0xffff, v1  }
0x48: {  	[tilespmem:v6+s2+$0x0] =	vst.idx.add.f32.msk $0xffff, v1  }
0x49: {  	[tilespmem:v14+s2+$0x0] =	vst.idx.add.f32.msk $0xffff, v1  }
0x4a: {  	[tilespmem:v7+s2+$0x0] =	vst.idx.add.f32.msk $0xffff, v1  }
0x4b: {  	[tilespmem:v10+s2+$0x0] =	vst.idx.add.f32.msk $0xffff, v1  }
0x4c: {  	[tilespmem:v4+s2+$0x0] =	vst.idx.add.f32.msk $0xffff, v1  }
.Ltmp1:
0x4d: {  	[tilespmem:v15+s2+$0x0] =	vst.idx.add.f32.msk $0xffff, v1;
	(pc) =	sbr.rel @p0 .LBB2_4-.Ltmp1, $4  }
0x4e: {  	[tilespmem:v8+s2+$0x0] =	vst.idx.add.f32.msk $0xffff, v1  }
0x4f: {  	[tilespmem:v16+s2+$0x0] =	vst.idx.add.f32.msk $0xffff, v1  }
0x50: {  	[tilespmem:v9+s2+$0x0] =	vst.idx.add.f32.msk $0xffff, v1  }
0x51: {  	s18 =	sadd.s32 $0x80, s18;
	[tilespmem:v17+s2+$0x0] =	vst.idx.add.f32.msk $0xffff, v1  }
0x52: {  	_ =	sdelay $0x3  }
0x53: {  	[tilespmem:v3+s2+$0x0] =	vst.idx.add.f32.msk $0xffff, v1  }
0x54: {  	[tilespmem:v2+s2+$0x0] =	vst.idx.add.f32.msk $0xffff, v1  }
0x55: {  	[tilespmem:s9], [sflag:$0x1] =	stream.linear.gather [hbm4b:s5+s2], $0x2000, $0x38;
	[tilespmem:$0xC000] =	vst v63  }
0x56: {  	_ =	swait.ge [sflag:s12], $0x2000  }
0x57: {  	[sflag:s12] =	ssyncset.done $0x0  }
0x58: {  	s17 =	simm.s32 $0xA040;
	[sflag:s12] =	ssyncadd.s32 $0xFFFFE000  }
0x59: {  	v2 =	vld [tilespmem:s17+$0x30]  }
0x5a: {  	v3 =	vld [tilespmem:s17+$0xFFFFFFD0]  }
0x5b: {  	v4 =	vld [tilespmem:s17+$0xFFFFFFE0]  }
0x5c: {  	v5 =	vld [tilespmem:s17+$0xFFFFFFF0];
	_ =	sdelay $0x1  }
0x5d: {  	v6 =	vand.u32 $0xFFFF, v2  }
0x5e: {  	v10 =	vld [tilespmem:s17+$0x10];
	v8 =	vand.u32 $0xFFFF, v3  }
0x5f: {  	v7 =	vld [tilespmem:s17+$0x0];
	v12 =	vand.u32 $0xFFFF, v4  }
0x60: {  	v9 =	vld [tilespmem:s17+$0xFFFFFFC0];
	v60 =	vand.u32 $0xFFFF, v5  }
0x61: {  	v11 =	vld [tilespmem:s17+$0x20];
	v2 =	vshrl.u32 v2, $0x10  }
0x62: {  	v3 =	vshrl.u32 v3, $0x10;
	[tilespmem:v6+s2+$0x0] =	vst.idx.add.f32.msk $0xffff, v1  }
0x63: {  	v62 =	vand.u32 $0xFFFF, v10;
	[tilespmem:v8+s2+$0x0] =	vst.idx.add.f32.msk $0xffff, v1  }
0x64: {  	v4 =	vshrl.u32 v4, $0x10;
	[tilespmem:v12+s2+$0x0] =	vst.idx.add.f32.msk $0xffff, v1  }
0x65: {  	v63 =	vshrl.u32 v10, $0x10;
	[tilespmem:v60+s2+$0x0] =	vst.idx.add.f32.msk $0xffff, v1  }
0x66: {  	[tilespmem:v2+s2+$0x0] =	vst.idx.add.f32.msk $0xffff, v1;
	v2 =	vand.u32 $0xFFFF, v9  }
0x67: {  	[tilespmem:v3+s2+$0x0] =	vst.idx.add.f32.msk $0xffff, v1;
	v3 =	vshrl.u32 v5, $0x10  }
0x68: {  	[tilespmem:v62+s2+$0x0] =	vst.idx.add.f32.msk $0xffff, v1;
	v5 =	vand.u32 $0xFFFF, v7  }
0x69: {  	v61 =	vshrl.u32 v9, $0x10;
	[tilespmem:v4+s2+$0x0] =	vst.idx.add.f32.msk $0xffff, v1  }
0x6a: {  	v4 =	vshrl.u32 v7, $0x10;
	[tilespmem:v63+s2+$0x0] =	vst.idx.add.f32.msk $0xffff, v1  }
0x6b: {  	[tilespmem:v2+s2+$0x0] =	vst.idx.add.f32.msk $0xffff, v1  }
0x6c: {  	[tilespmem:v3+s2+$0x0] =	vst.idx.add.f32.msk $0xffff, v1  }
0x6d: {  	[tilespmem:v5+s2+$0x0] =	vst.idx.add.f32.msk $0xffff, v1  }
0x6e: {  	[tilespmem:v61+s2+$0x0] =	vst.idx.add.f32.msk $0xffff, v1  }
0x6f: {  	s18 =	simm.s32 $0xA0C0;
	s17 =	simm.s32 $0x0;
	v2 =	vshrl.u32 v11, $0x10;
	v3 =	vand.u32 $0xFFFF, v11;
	[tilespmem:v4+s2+$0x0] =	vst.idx.add.f32.msk $0xffff, v1  }
.LBB2_6:
0x70: {  	v4 =	vld [tilespmem:s18+$0x30]  }
0x71: {  	s17 =	sadd.s32 $0x8, s17;
	v5 =	vld [tilespmem:s18+$0xFFFFFFD0]  }
0x72: {  	p0 =	slt.u32 s17, $0x1F8;
	v6 =	vld [tilespmem:s18+$0xFFFFFFE0]  }
0x73: {  	v7 =	vld [tilespmem:s18+$0xFFFFFFF0]  }
0x74: {  	v8 =	vld [tilespmem:s18+$0x0]  }
0x75: {  	v9 =	vld [tilespmem:s18+$0x10];
	v10 =	vand.u32 $0xFFFF, v4  }
0x76: {  	v4 =	vshrl.u32 v4, $0x10;
	v11 =	vshrl.u32 v5, $0x10;
	v5 =	vand.u32 $0xFFFF, v5;
	v12 =	vld [tilespmem:s18+$0x20]  }
0x77: {  	v13 =	vld [tilespmem:s18+$0xFFFFFFC0];
	v14 =	vshrl.u32 v6, $0x10;
	v6 =	vand.u32 $0xFFFF, v6  }
0x78: {  	v15 =	vshrl.u32 v7, $0x10;
	v7 =	vand.u32 $0xFFFF, v7;
	[tilespmem:v3+s2+$0x0] =	vst.idx.add.f32.msk $0xffff, v1  }
0x79: {  	v16 =	vshrl.u32 v8, $0x10;
	v8 =	vand.u32 $0xFFFF, v8;
	[tilespmem:v2+s2+$0x0] =	vst.idx.add.f32.msk $0xffff, v1  }
0x7a: {  	v17 =	vshrl.u32 v9, $0x10;
	v9 =	vand.u32 $0xFFFF, v9;
	[tilespmem:v10+s2+$0x0] =	vst.idx.add.f32.msk $0xffff, v1  }
0x7b: {  	v2 =	vshrl.u32 v12, $0x10;
	v3 =	vand.u32 $0xFFFF, v12;
	[tilespmem:v4+s2+$0x0] =	vst.idx.add.f32.msk $0xffff, v1  }
0x7c: {  	v4 =	vshrl.u32 v13, $0x10;
	v10 =	vand.u32 $0xFFFF, v13;
	[tilespmem:v5+s2+$0x0] =	vst.idx.add.f32.msk $0xffff, v1  }
0x7d: {  	[tilespmem:v11+s2+$0x0] =	vst.idx.add.f32.msk $0xffff, v1  }
0x7e: {  	[tilespmem:v6+s2+$0x0] =	vst.idx.add.f32.msk $0xffff, v1  }
0x7f: {  	[tilespmem:v14+s2+$0x0] =	vst.idx.add.f32.msk $0xffff, v1  }
0x80: {  	[tilespmem:v7+s2+$0x0] =	vst.idx.add.f32.msk $0xffff, v1  }
0x81: {  	[tilespmem:v10+s2+$0x0] =	vst.idx.add.f32.msk $0xffff, v1  }
0x82: {  	[tilespmem:v4+s2+$0x0] =	vst.idx.add.f32.msk $0xffff, v1  }
.Ltmp2:
0x83: {  	[tilespmem:v15+s2+$0x0] =	vst.idx.add.f32.msk $0xffff, v1;
	(pc) =	sbr.rel @p0 .LBB2_6-.Ltmp2, $4  }
0x84: {  	[tilespmem:v8+s2+$0x0] =	vst.idx.add.f32.msk $0xffff, v1  }
0x85: {  	[tilespmem:v16+s2+$0x0] =	vst.idx.add.f32.msk $0xffff, v1  }
0x86: {  	[tilespmem:v9+s2+$0x0] =	vst.idx.add.f32.msk $0xffff, v1  }
0x87: {  	s18 =	sadd.s32 $0x80, s18;
	[tilespmem:v17+s2+$0x0] =	vst.idx.add.f32.msk $0xffff, v1  }
0x88: {  	_ =	sdelay $0x3  }
0x89: {  	[tilespmem:v3+s2+$0x0] =	vst.idx.add.f32.msk $0xffff, v1  }
0x8a: {  	[tilespmem:v2+s2+$0x0] =	vst.idx.add.f32.msk $0xffff, v1  }
0x8b: {  	[tilespmem:s10], [sflag:$0x2] =	stream.linear.gather [hbm4b:s6+s2], $0x2000, $0x38;
	[tilespmem:$0xC000] =	vst v63  }
0x8c: {  	_ =	swait.ge [sflag:s11], $0x2000  }
0x8d: {  	[sflag:s11] =	ssyncset.done $0x0  }
0x8e: {  	s17 =	simm.s32 $0x8040;
	[sflag:s11] =	ssyncadd.s32 $0xFFFFE000  }
0x8f: {  	v2 =	vld [tilespmem:s17+$0x30]  }
0x90: {  	v3 =	vld [tilespmem:s17+$0xFFFFFFD0]  }
0x91: {  	v4 =	vld [tilespmem:s17+$0xFFFFFFE0]  }
0x92: {  	v5 =	vld [tilespmem:s17+$0xFFFFFFF0];
	_ =	sdelay $0x1  }
0x93: {  	v6 =	vand.u32 $0xFFFF, v2  }
0x94: {  	v10 =	vld [tilespmem:s17+$0x10];
	v8 =	vand.u32 $0xFFFF, v3  }
0x95: {  	v7 =	vld [tilespmem:s17+$0x0];
	v12 =	vand.u32 $0xFFFF, v4  }
0x96: {  	v9 =	vld [tilespmem:s17+$0xFFFFFFC0];
	v60 =	vand.u32 $0xFFFF, v5  }
0x97: {  	v11 =	vld [tilespmem:s17+$0x20];
	v2 =	vshrl.u32 v2, $0x10  }
0x98: {  	v3 =	vshrl.u32 v3, $0x10;
	[tilespmem:v6+s2+$0x0] =	vst.idx.add.f32.msk $0xffff, v1  }
0x99: {  	v62 =	vand.u32 $0xFFFF, v10;
	[tilespmem:v8+s2+$0x0] =	vst.idx.add.f32.msk $0xffff, v1  }
0x9a: {  	v4 =	vshrl.u32 v4, $0x10;
	[tilespmem:v12+s2+$0x0] =	vst.idx.add.f32.msk $0xffff, v1  }
0x9b: {  	v63 =	vshrl.u32 v10, $0x10;
	[tilespmem:v60+s2+$0x0] =	vst.idx.add.f32.msk $0xffff, v1  }
0x9c: {  	[tilespmem:v2+s2+$0x0] =	vst.idx.add.f32.msk $0xffff, v1;
	v2 =	vand.u32 $0xFFFF, v9  }
0x9d: {  	[tilespmem:v3+s2+$0x0] =	vst.idx.add.f32.msk $0xffff, v1;
	v3 =	vshrl.u32 v5, $0x10  }
0x9e: {  	[tilespmem:v62+s2+$0x0] =	vst.idx.add.f32.msk $0xffff, v1;
	v5 =	vand.u32 $0xFFFF, v7  }
0x9f: {  	v61 =	vshrl.u32 v9, $0x10;
	[tilespmem:v4+s2+$0x0] =	vst.idx.add.f32.msk $0xffff, v1  }
0xa0: {  	v4 =	vshrl.u32 v7, $0x10;
	[tilespmem:v63+s2+$0x0] =	vst.idx.add.f32.msk $0xffff, v1  }
0xa1: {  	[tilespmem:v2+s2+$0x0] =	vst.idx.add.f32.msk $0xffff, v1  }
0xa2: {  	[tilespmem:v3+s2+$0x0] =	vst.idx.add.f32.msk $0xffff, v1  }
0xa3: {  	[tilespmem:v5+s2+$0x0] =	vst.idx.add.f32.msk $0xffff, v1  }
0xa4: {  	[tilespmem:v61+s2+$0x0] =	vst.idx.add.f32.msk $0xffff, v1  }
0xa5: {  	s18 =	simm.s32 $0x80C0;
	s17 =	simm.s32 $0x0;
	v2 =	vshrl.u32 v11, $0x10;
	v3 =	vand.u32 $0xFFFF, v11;
	[tilespmem:v4+s2+$0x0] =	vst.idx.add.f32.msk $0xffff, v1  }
.LBB2_8:
0xa6: {  	v4 =	vld [tilespmem:s18+$0x30]  }
0xa7: {  	s17 =	sadd.s32 $0x8, s17;
	v5 =	vld [tilespmem:s18+$0xFFFFFFD0]  }
0xa8: {  	p0 =	slt.u32 s17, $0x1F8;
	v6 =	vld [tilespmem:s18+$0xFFFFFFE0]  }
0xa9: {  	v7 =	vld [tilespmem:s18+$0xFFFFFFF0]  }
0xaa: {  	v8 =	vld [tilespmem:s18+$0x0]  }
0xab: {  	v9 =	vld [tilespmem:s18+$0x10];
	v10 =	vand.u32 $0xFFFF, v4  }
0xac: {  	v4 =	vshrl.u32 v4, $0x10;
	v11 =	vshrl.u32 v5, $0x10;
	v5 =	vand.u32 $0xFFFF, v5;
	v12 =	vld [tilespmem:s18+$0x20]  }
0xad: {  	v13 =	vld [tilespmem:s18+$0xFFFFFFC0];
	v14 =	vshrl.u32 v6, $0x10;
	v6 =	vand.u32 $0xFFFF, v6  }
0xae: {  	v15 =	vshrl.u32 v7, $0x10;
	v7 =	vand.u32 $0xFFFF, v7;
	[tilespmem:v3+s2+$0x0] =	vst.idx.add.f32.msk $0xffff, v1  }
0xaf: {  	v16 =	vshrl.u32 v8, $0x10;
	v8 =	vand.u32 $0xFFFF, v8;
	[tilespmem:v2+s2+$0x0] =	vst.idx.add.f32.msk $0xffff, v1  }
0xb0: {  	v17 =	vshrl.u32 v9, $0x10;
	v9 =	vand.u32 $0xFFFF, v9;
	[tilespmem:v10+s2+$0x0] =	vst.idx.add.f32.msk $0xffff, v1  }
0xb1: {  	v2 =	vshrl.u32 v12, $0x10;
	v3 =	vand.u32 $0xFFFF, v12;
	[tilespmem:v4+s2+$0x0] =	vst.idx.add.f32.msk $0xffff, v1  }
0xb2: {  	v4 =	vshrl.u32 v13, $0x10;
	v10 =	vand.u32 $0xFFFF, v13;
	[tilespmem:v5+s2+$0x0] =	vst.idx.add.f32.msk $0xffff, v1  }
0xb3: {  	[tilespmem:v11+s2+$0x0] =	vst.idx.add.f32.msk $0xffff, v1  }
0xb4: {  	[tilespmem:v6+s2+$0x0] =	vst.idx.add.f32.msk $0xffff, v1  }
0xb5: {  	[tilespmem:v14+s2+$0x0] =	vst.idx.add.f32.msk $0xffff, v1  }
0xb6: {  	[tilespmem:v7+s2+$0x0] =	vst.idx.add.f32.msk $0xffff, v1  }
0xb7: {  	[tilespmem:v10+s2+$0x0] =	vst.idx.add.f32.msk $0xffff, v1  }
0xb8: {  	[tilespmem:v4+s2+$0x0] =	vst.idx.add.f32.msk $0xffff, v1  }
.Ltmp3:
0xb9: {  	[tilespmem:v15+s2+$0x0] =	vst.idx.add.f32.msk $0xffff, v1;
	(pc) =	sbr.rel @p0 .LBB2_8-.Ltmp3, $4  }
0xba: {  	[tilespmem:v8+s2+$0x0] =	vst.idx.add.f32.msk $0xffff, v1  }
0xbb: {  	[tilespmem:v16+s2+$0x0] =	vst.idx.add.f32.msk $0xffff, v1  }
0xbc: {  	[tilespmem:v9+s2+$0x0] =	vst.idx.add.f32.msk $0xffff, v1  }
0xbd: {  	s18 =	sadd.s32 $0x80, s18;
	[tilespmem:v17+s2+$0x0] =	vst.idx.add.f32.msk $0xffff, v1  }
0xbe: {  	_ =	sdelay $0x3  }
0xbf: {  	[tilespmem:v3+s2+$0x0] =	vst.idx.add.f32.msk $0xffff, v1  }
0xc0: {  	[tilespmem:v2+s2+$0x0] =	vst.idx.add.f32.msk $0xffff, v1  }
0xc1: {  	_ =	swait.ge [sflag:s12], $0x2000  }
0xc2: {  	[sflag:s12] =	ssyncset.done $0x0  }
0xc3: {  	s17 =	simm.s32 $0xA040;
	[sflag:s12] =	ssyncadd.s32 $0xFFFFE000  }
0xc4: {  	v2 =	vld [tilespmem:s17+$0x30]  }
0xc5: {  	v3 =	vld [tilespmem:s17+$0xFFFFFFD0]  }
0xc6: {  	v4 =	vld [tilespmem:s17+$0xFFFFFFE0]  }
0xc7: {  	v5 =	vld [tilespmem:s17+$0xFFFFFFF0];
	_ =	sdelay $0x1  }
0xc8: {  	v6 =	vand.u32 $0xFFFF, v2  }
0xc9: {  	v10 =	vld [tilespmem:s17+$0x10];
	v8 =	vand.u32 $0xFFFF, v3  }
0xca: {  	v7 =	vld [tilespmem:s17+$0x0];
	v12 =	vand.u32 $0xFFFF, v4  }
0xcb: {  	v9 =	vld [tilespmem:s17+$0xFFFFFFC0];
	v60 =	vand.u32 $0xFFFF, v5  }
0xcc: {  	v11 =	vld [tilespmem:s17+$0x20];
	v2 =	vshrl.u32 v2, $0x10  }
0xcd: {  	v3 =	vshrl.u32 v3, $0x10;
	[tilespmem:v6+s2+$0x0] =	vst.idx.add.f32.msk $0xffff, v1  }
0xce: {  	v62 =	vand.u32 $0xFFFF, v10;
	[tilespmem:v8+s2+$0x0] =	vst.idx.add.f32.msk $0xffff, v1  }
0xcf: {  	v4 =	vshrl.u32 v4, $0x10;
	[tilespmem:v12+s2+$0x0] =	vst.idx.add.f32.msk $0xffff, v1  }
0xd0: {  	v63 =	vshrl.u32 v10, $0x10;
	[tilespmem:v60+s2+$0x0] =	vst.idx.add.f32.msk $0xffff, v1  }
0xd1: {  	[tilespmem:v2+s2+$0x0] =	vst.idx.add.f32.msk $0xffff, v1;
	v2 =	vand.u32 $0xFFFF, v9  }
0xd2: {  	[tilespmem:v3+s2+$0x0] =	vst.idx.add.f32.msk $0xffff, v1;
	v3 =	vshrl.u32 v5, $0x10  }
0xd3: {  	[tilespmem:v62+s2+$0x0] =	vst.idx.add.f32.msk $0xffff, v1;
	v5 =	vand.u32 $0xFFFF, v7  }
0xd4: {  	v61 =	vshrl.u32 v9, $0x10;
	[tilespmem:v4+s2+$0x0] =	vst.idx.add.f32.msk $0xffff, v1  }
0xd5: {  	v4 =	vshrl.u32 v7, $0x10;
	[tilespmem:v63+s2+$0x0] =	vst.idx.add.f32.msk $0xffff, v1  }
0xd6: {  	[tilespmem:v2+s2+$0x0] =	vst.idx.add.f32.msk $0xffff, v1  }
0xd7: {  	[tilespmem:v3+s2+$0x0] =	vst.idx.add.f32.msk $0xffff, v1  }
0xd8: {  	[tilespmem:v5+s2+$0x0] =	vst.idx.add.f32.msk $0xffff, v1  }
0xd9: {  	[tilespmem:v61+s2+$0x0] =	vst.idx.add.f32.msk $0xffff, v1  }
0xda: {  	s18 =	simm.s32 $0xA0C0;
	s17 =	simm.s32 $0x0;
	v2 =	vshrl.u32 v11, $0x10;
	v3 =	vand.u32 $0xFFFF, v11;
	[tilespmem:v4+s2+$0x0] =	vst.idx.add.f32.msk $0xffff, v1  }
.LBB2_10:
0xdb: {  	v4 =	vld [tilespmem:s18+$0x30]  }
0xdc: {  	s17 =	sadd.s32 $0x8, s17;
	v5 =	vld [tilespmem:s18+$0xFFFFFFD0]  }
0xdd: {  	p0 =	slt.u32 s17, $0x1F8;
	v6 =	vld [tilespmem:s18+$0xFFFFFFE0]  }
0xde: {  	v7 =	vld [tilespmem:s18+$0xFFFFFFF0]  }
0xdf: {  	v8 =	vld [tilespmem:s18+$0x0]  }
0xe0: {  	v9 =	vld [tilespmem:s18+$0x10];
	v10 =	vand.u32 $0xFFFF, v4  }
0xe1: {  	v4 =	vshrl.u32 v4, $0x10;
	v11 =	vshrl.u32 v5, $0x10;
	v5 =	vand.u32 $0xFFFF, v5;
	v12 =	vld [tilespmem:s18+$0x20]  }
0xe2: {  	v13 =	vld [tilespmem:s18+$0xFFFFFFC0];
	v14 =	vshrl.u32 v6, $0x10;
	v6 =	vand.u32 $0xFFFF, v6  }
0xe3: {  	v15 =	vshrl.u32 v7, $0x10;
	v7 =	vand.u32 $0xFFFF, v7;
	[tilespmem:v3+s2+$0x0] =	vst.idx.add.f32.msk $0xffff, v1  }
0xe4: {  	v16 =	vshrl.u32 v8, $0x10;
	v8 =	vand.u32 $0xFFFF, v8;
	[tilespmem:v2+s2+$0x0] =	vst.idx.add.f32.msk $0xffff, v1  }
0xe5: {  	v17 =	vshrl.u32 v9, $0x10;
	v9 =	vand.u32 $0xFFFF, v9;
	[tilespmem:v10+s2+$0x0] =	vst.idx.add.f32.msk $0xffff, v1  }
0xe6: {  	v2 =	vshrl.u32 v12, $0x10;
	v3 =	vand.u32 $0xFFFF, v12;
	[tilespmem:v4+s2+$0x0] =	vst.idx.add.f32.msk $0xffff, v1  }
0xe7: {  	v4 =	vshrl.u32 v13, $0x10;
	v10 =	vand.u32 $0xFFFF, v13;
	[tilespmem:v5+s2+$0x0] =	vst.idx.add.f32.msk $0xffff, v1  }
0xe8: {  	[tilespmem:v11+s2+$0x0] =	vst.idx.add.f32.msk $0xffff, v1  }
0xe9: {  	[tilespmem:v6+s2+$0x0] =	vst.idx.add.f32.msk $0xffff, v1  }
0xea: {  	[tilespmem:v14+s2+$0x0] =	vst.idx.add.f32.msk $0xffff, v1  }
0xeb: {  	[tilespmem:v7+s2+$0x0] =	vst.idx.add.f32.msk $0xffff, v1  }
0xec: {  	[tilespmem:v10+s2+$0x0] =	vst.idx.add.f32.msk $0xffff, v1  }
0xed: {  	[tilespmem:v4+s2+$0x0] =	vst.idx.add.f32.msk $0xffff, v1  }
.Ltmp4:
0xee: {  	[tilespmem:v15+s2+$0x0] =	vst.idx.add.f32.msk $0xffff, v1;
	(pc) =	sbr.rel @p0 .LBB2_10-.Ltmp4, $4  }
0xef: {  	[tilespmem:v8+s2+$0x0] =	vst.idx.add.f32.msk $0xffff, v1  }
0xf0: {  	[tilespmem:v16+s2+$0x0] =	vst.idx.add.f32.msk $0xffff, v1  }
0xf1: {  	[tilespmem:v9+s2+$0x0] =	vst.idx.add.f32.msk $0xffff, v1  }
0xf2: {  	s18 =	sadd.s32 $0x80, s18;
	[tilespmem:v17+s2+$0x0] =	vst.idx.add.f32.msk $0xffff, v1  }
0xf3: {  	_ =	sdelay $0x2  }
0xf4: {  	s16 =	sadd.s32 $0x1, s16  }
0xf5: {  	[tilespmem:v3+s2+$0x0] =	vst.idx.add.f32.msk $0xffff, v1;
	p0 =	sne.s32 s16, s8  }
.Ltmp5:
0xf6: {  	[tilespmem:v2+s2+$0x0] =	vst.idx.add.f32.msk $0xffff, v1;
	(pc) =	sbr.rel @p0 .LBB2_1-.Ltmp5, $4  }
0xf7: {  	[hbm4b:s7+s13] =	stream.strided.scatter [tilespmem:s2], [sflag:$0x3], $0x8000, s14, s13, $0x38;
	[tilespmem:$0xC000] =	vst v63  }
0xf8: {  	_ =	swait.ge [sflag:s15], $0x8000  }
0xf9: {  	[sflag:s15] =	ssyncset.done $0x0  }
0xfa: {  	[sflag:s15] =	ssyncadd.s32 $0xFFFF8000  }
0xfb: {  	_ =	sfence.sel $0x180000  }
0xfc: {  	[bflag:$0x0] =	sbarrier.arrive $0xFFFF  }
0xfd: {  	p0 =	sne.s32 s1, $0x0;
	_ =	strace $0x90000047  }
0xfe: {  	s0 =	sadd.s32 @!p0 $0x100000, s0;
	[bflag:$0x2] =	sbarrier.arrive $0xFFFF  }
0xff: {  	[sflag:s0] =	ssyncadd.tile.s32 @!p0 $0x1;
	_ =	shalt  }
.Lfunc_end2:
_tile_overlayer_lowered:
.L_overlay_start_2:
0x100: {  	(tag) =	ssettag $0x2  }
0x101: {  	s0 =	rddreg [dreg:$0x0];
	s2 =	stileid.u32  }
0x102: {  	s1 =	rddreg [dreg:$0x1];
	p0 =	sne.s32 s2, $0x0  }
0x103: {  	s3 =	rddreg [dreg:$0x2];
	[bflag:$0x3] =	sbarrier.arrive $0xFFFF;
	s2 =	simm.s32 @!p0 $0x1C03  }
0x104: {  	[timem:s3], [sflag:s2] =	dma.local @!p0 [hbm:s0], s1  }
0x105: {  	s0 =	simm.s32 @!p0 $0x3  }
0x106: {  	_ =	swait.ge @!p0 [sflag:s0], s1  }
0x107: {  	s1 =	ssub.s32 @!p0 $0x0, s1;
	[sflag:s0] =	ssyncset.done @!p0 $0x0  }
0x108: {  	[sflag:s0] =	ssyncadd.s32 @!p0 s1  }
0x109: {  	[bflag:$0x3] =	sbarrier.arrive $0xFFFF  }
0x10a: {  	_ =	shalt  }

</sc_bundles>
